<compile_context>
chip_gen: v7x
topology: tpu7x:2x2x1
jax: 0.10.2.dev20260603
libtpu: 0.0.44.dev20260713+nightly
codegen_flags: <defaults>
</compile_context>

<pallas_src>
import functools
import math

import jax
import jax.numpy as jnp
from jax import lax
from jax.experimental import pallas as pl
from jax.experimental.pallas import tpu as pltpu
from jax.experimental.pallas import tpu_sc as plsc

_EPS = 1e-6
_LOG_EPS = math.log(_EPS)
_LOG_1M_EPS = math.log(1.0 - _EPS)

_CHUNK = 256


def _sc_gather(table_ref, idx_ref, out_ref, idx_v, rows_v, sem, *, b_per_w,
               nc):
    wid = lax.axis_index("s") * nc + lax.axis_index("c")
    base = wid * b_per_w
    for j in range(b_per_w // _CHUNK):
        o = base + j * _CHUNK
        pltpu.sync_copy(idx_ref.at[pl.ds(o, _CHUNK)], idx_v)
        pltpu.async_copy(table_ref.at[idx_v], rows_v, sem).wait()
        pltpu.sync_copy(rows_v, out_ref.at[pl.ds(o, _CHUNK)])


def _fused_kernel(x_ref, hp_ref, w_ref, ga_ref, gb_ref, prop_ref, ent_ref,
                  wtop_ref, acc_ref, hi_ref, *, n_pairs, c, e_dim):
    bb = x_ref.shape[0]
    items = 2 * n_pairs
    lane = lax.broadcasted_iota(jnp.int32, (bb, 2 * c), 1)
    mask = lane < c
    lanelocf = (lane & (c - 1)).astype(jnp.float32)
    ninf = jnp.float32(-jnp.inf)
    dn = (((1,), (0,)), ((), ()))

    def mm(a, b):
        return lax.dot_general(a, b, dn, precision=lax.Precision.DEFAULT,
                               preferred_element_type=jnp.float32)

    @pl.when(pl.program_id(0) == 0)
    def _prep():
        for i in range(items):
            wtop_ref[:, c * i:c * (i + 1)] = (
                w_ref[i, :e_dim, :].astype(jnp.bfloat16))

    x_blk = x_ref[...].astype(jnp.bfloat16)
    acc_ref[...] = mm(x_blk, wtop_ref[...]) + ga_ref[...] + gb_ref[...]
    for k in range(n_pairs):
        sl = pl.ds(2 * c * k, 2 * c)
        acc = acc_ref[:, sl]
        ma = jnp.max(jnp.where(mask, acc, ninf), axis=1, keepdims=True)
        mb = jnp.max(jnp.where(mask, ninf, acc), axis=1, keepdims=True)
        hit = (acc == jnp.where(mask, ma, mb)).astype(jnp.float32)
        acc_ref[:, sl] = acc
        hi_ref[:, sl] = hit * lanelocf

    g = (lax.broadcasted_iota(jnp.int32, (items * c, items), 0) // c
         == lax.broadcasted_iota(jnp.int32, (items * c, items), 1)
         ).astype(jnp.float32)
    gt = (lax.broadcasted_iota(jnp.int32, (items, items * c), 1) // c
          == lax.broadcasted_iota(jnp.int32, (items, items * c), 0)
          ).astype(jnp.float32)
    acc_all = acc_ref[...]
    e_all = jnp.exp(acc_all)
    s26 = mm(e_all, g)
    i26 = mm(hi_ref[...], g)
    sinv = mm(1.0 / s26, gt)
    lsum = mm(jnp.log(s26), gt)
    p = jnp.clip(e_all * sinv, _EPS, 1.0 - _EPS)
    lp = jnp.clip(acc_all - lsum, _LOG_EPS, _LOG_1M_EPS)
    ent26 = mm(p * lp, g)
    prop_ref[...] = i26.astype(jnp.int32)
    ent_ref[...] = jnp.reshape(-jnp.sum(ent26), (1, 1, 1))


def kernel(x, hidden_proposal, W, b, testing):
    batch, e_dim = x.shape
    items, ec, c = W.shape
    n_pairs = items // 2
    blk_b = 512
    hp = hidden_proposal.astype(jnp.int32)

    wrow = ((W[:, e_dim:, :] + b[:, None, :])
            .astype(jnp.bfloat16).astype(jnp.float32)
            .reshape(items * c, c))
    z = jnp.zeros((items * c, c), jnp.float32)
    table = jnp.concatenate([
        jnp.concatenate([wrow, z], axis=1),
        jnp.concatenate([z, wrow], axis=1)], axis=0)
    off = jnp.arange(items, dtype=jnp.int32) * c
    idx_a = (hp[:, 0::2] + off[None, 0::2]).reshape(-1)
    idx_b = (hp[:, 1::2] + off[None, 1::2] + items * c).reshape(-1)
    idx = jnp.concatenate([idx_a, idx_b])

    info = plsc.get_sparse_core_info()
    nw = info.num_cores * info.num_subcores
    b_per_w = (items * batch) // nw
    mesh = plsc.VectorSubcoreMesh(core_axis_name="c", subcore_axis_name="s")
    gath = pl.kernel(
        functools.partial(_sc_gather, b_per_w=b_per_w, nc=info.num_cores),
        mesh=mesh,
        out_type=jax.ShapeDtypeStruct((items * batch, 2 * c), jnp.float32),
        scratch_types=[
            pltpu.VMEM((_CHUNK,), jnp.int32),
            pltpu.VMEM((_CHUNK, 2 * c), jnp.float32),
            pltpu.SemaphoreType.DMA,
        ],
    )(table, idx)
    half = (items * batch) // 2
    ga = gath[:half].reshape(batch, n_pairs * 2 * c)
    gb = gath[half:].reshape(batch, n_pairs * 2 * c)

    prop, ent = pl.pallas_call(
        functools.partial(_fused_kernel, n_pairs=n_pairs, c=c, e_dim=e_dim),
        grid=(batch // blk_b,),
        in_specs=[
            pl.BlockSpec((blk_b, e_dim), lambda i: (i, 0)),
            pl.BlockSpec((blk_b, items), lambda i: (i, 0)),
            pl.BlockSpec((items, ec, c), lambda i: (0, 0, 0)),
            pl.BlockSpec((blk_b, n_pairs * 2 * c), lambda i: (i, 0)),
            pl.BlockSpec((blk_b, n_pairs * 2 * c), lambda i: (i, 0)),
        ],
        out_specs=[
            pl.BlockSpec((blk_b, items), lambda i: (i, 0)),
            pl.BlockSpec((1, 1, 1), lambda i: (i, 0, 0)),
        ],
        out_shape=[
            jax.ShapeDtypeStruct((batch, items), jnp.int32),
            jax.ShapeDtypeStruct((batch // blk_b, 1, 1), jnp.float32),
        ],
        scratch_shapes=[
            pltpu.VMEM((e_dim, items * c), jnp.bfloat16),
            pltpu.VMEM((blk_b, items * c), jnp.float32),
            pltpu.VMEM((blk_b, items * c), jnp.float32),
        ],
    )(x, hp, W, ga, gb)

    proposal = prop.astype(jnp.int64)
    entropy = jnp.sum(ent)
    matches = jnp.int32(batch * items)
    draws = jnp.int32(batch * items)
    return (proposal, entropy, matches, draws)

# --- scband reference (transcript-rebuilt; emitter-appended) ---
"""Pipeline reference for scband-proposal-repr-policy-18975165514332 (READ-ONLY COPY).

The authoritative reference and input builder live on the scoring server;
editing this copy changes nothing except your own understanding.
"""

import jax, jax.numpy as jnp
import numpy as np

EPS = 1e-6
B = 4096
E = 1024
C = 64
ITEMS = 26


def setup_inputs(seed: int = 0) -> dict:
    key = jax.random.key(seed)
    k0, k1, k2 = jax.random.split(key, 3)
    x = jax.random.normal(k0, (B, E), dtype=jnp.float32)
    hidden_proposal = jax.random.randint(k1, (B, ITEMS), 0, C)
    # per-item Linear(E + C -> C) weights, stacked: [ITEMS, E+C, C]
    W = jax.random.normal(k2, (ITEMS, E + C, C), dtype=jnp.float32) * 0.02
    b = jnp.zeros((ITEMS, C), dtype=jnp.float32)
    return {"x": x, "hidden_proposal": hidden_proposal, "W": W, "b": b, "testing": 1}


def reference(x, hidden_proposal, W, b, testing=1):
    # testing=True path: greedy argmax sampling (deterministic), no stochastic nodes
    batch_size = x.shape[0]
    hidden_proposal_onehot = jax.nn.one_hot(hidden_proposal, C, dtype=jnp.float32)  # scatter_ one-hot
    proposals = []
    entropy = jnp.float32(0.0)
    matches_argmax_count = 0
    stochastic_draws = 0
    for i in range(ITEMS):
        cur_item_hidden_proposal = hidden_proposal_onehot[:, i, :]
        inp = jnp.concatenate([x, cur_item_hidden_proposal], axis=1)
        logits = inp @ W[i] + b[i]
        probs = jnp.clip(jax.nn.softmax(logits, axis=1), EPS, 1.0 - EPS)
        res_greedy = jnp.argmax(probs, axis=1)
        a = res_greedy  # testing=True -> greedy
        matches_argmax_count += batch_size  # greedy always matches argmax
        stochastic_draws += batch_size
        entropy = entropy + (-probs * jnp.log(probs)).sum()
        proposals.append(a.astype(jnp.int64))
    proposal = jnp.stack(proposals, axis=1)
    return (proposal, entropy, jnp.int32(matches_argmax_count), jnp.int32(stochastic_draws))

if __name__ == "__main__":
    import jax
    _d = setup_inputs()
    print(jax.jit(kernel)(*tuple(_d.values())))

</pallas_src>

<mosaic_0001>
#map = affine_map<(d0, d1) -> (0, 0)>
#map1 = affine_map<(d0, d1) -> (0)>
module attributes {stable_mosaic.version = 14 : i64} {
  func.func @_sc_gather(%arg0: i32, %arg1: i32, %arg2: memref<3328x128xf32, #tpu.memory_space<hbm>>, %arg3: memref<106496xi32, #tpu.memory_space<hbm>>, %arg4: memref<106496x128xf32, #tpu.memory_space<hbm>>, %arg5: memref<256xi32, #tpu.memory_space<vmem>>, %arg6: memref<256x128xf32, #tpu.memory_space<vmem>>, %arg7: memref<!tpu.dma_semaphore, #tpu.memory_space<semaphore_mem>>) attributes {dimension_semantics = [#tpu.dimension_semantics<core_parallel>, #tpu.dimension_semantics<subcore_parallel>], iteration_bounds = array<i64: 2, 16>, scalar_prefetch = 0 : i64, scratch_operands = 3 : i64, tpu.core_type = #tpu.core_type<sc_vector_subcore>, window_params = [{transform_indices = #map}, {transform_indices = #map1}, {transform_indices = #map}]} {
    %mul3A = arith.constant 2 : i32
    %mul3A_0 = arith.muli %arg1, %mul3A : i32
    %add3A = arith.addi %mul3A_0, %arg0 : i32
    %mul3A_1 = arith.constant 3328 : i32
    %mul3A_2 = arith.muli %add3A, %mul3A_1 : i32
    %add3A_3 = arith.constant 0 : i32
    %add3A_4 = arith.addi %mul3A_2, %add3A_3 : i32
    "tpu.region"() ({
      %run_scoped3A = tpu.sem_alloc : memref<!tpu.dma_semaphore, #tpu.memory_space<semaphore_mem>>
      %dma_start3A_105 = tpu.memref_slice %arg3[%add3A_4] : memref<106496xi32, #tpu.memory_space<hbm>> -> memref<256xi32, #tpu.memory_space<hbm>>
      %dma_start3A_106 = tpu.memref_slice %arg3[%add3A_4] : memref<106496xi32, #tpu.memory_space<hbm>> -> memref<256xi32, #tpu.memory_space<hbm>>
      tpu.enqueue_dma source(%dma_start3A_106 : memref<256xi32, #tpu.memory_space<hbm>>) target(%arg5 : memref<256xi32, #tpu.memory_space<vmem>>) target_semaphore(%run_scoped3A : memref<!tpu.dma_semaphore, #tpu.memory_space<semaphore_mem>>)
      %dma_wait3A_107 = tpu.memref_slice %arg3[%add3A_4] : memref<106496xi32, #tpu.memory_space<hbm>> -> memref<256xi32, #tpu.memory_space<hbm>>
      %dma_wait3A_108 = tpu.memref_slice %arg3[%add3A_4] : memref<106496xi32, #tpu.memory_space<hbm>> -> memref<256xi32, #tpu.memory_space<hbm>>
      tpu.wait_dma2 semaphore(%run_scoped3A : memref<!tpu.dma_semaphore, #tpu.memory_space<semaphore_mem>>) src(%dma_wait3A_108 : memref<256xi32, #tpu.memory_space<hbm>>) dst(%arg5 : memref<256xi32, #tpu.memory_space<vmem>>)
      tpu.yield
    }) : () -> ()
    %dma_start3A = arith.constant 0 : i32
    %dma_start3A_5 = arith.constant 0 : i32
    %dma_start3A_6 = tpu.memref_slice %arg2[%dma_start3A, %dma_start3A_5] : memref<3328x128xf32, #tpu.memory_space<hbm>> -> memref<3328x128xf32, #tpu.memory_space<hbm>>
    tpu.enqueue_indirect_dma source(%dma_start3A_6 : memref<3328x128xf32, #tpu.memory_space<hbm>>) target(%arg6 : memref<256x128xf32, #tpu.memory_space<vmem>>) offsets(%arg5 : memref<256xi32, #tpu.memory_space<vmem>>) semaphore(%arg7 : memref<!tpu.dma_semaphore, #tpu.memory_space<semaphore_mem>>)
    %dma_wait3A = arith.constant 0 : i32
    %dma_wait3A_7 = arith.constant 0 : i32
    %dma_wait3A_8 = tpu.memref_slice %arg2[%dma_wait3A, %dma_wait3A_7] : memref<3328x128xf32, #tpu.memory_space<hbm>> -> memref<3328x128xf32, #tpu.memory_space<hbm>>
    tpu.wait_indirect_dma semaphore(%arg7 : memref<!tpu.dma_semaphore, #tpu.memory_space<semaphore_mem>>) src(%dma_wait3A_8 : memref<3328x128xf32, #tpu.memory_space<hbm>>) dst(%arg6 : memref<256x128xf32, #tpu.memory_space<vmem>>)
    "tpu.region"() ({
      %run_scoped3A = tpu.sem_alloc : memref<!tpu.dma_semaphore, #tpu.memory_space<semaphore_mem>>
      %dma_start3A_105 = arith.constant 0 : i32
      %dma_start3A_106 = tpu.memref_slice %arg4[%add3A_4, %dma_start3A_105] : memref<106496x128xf32, #tpu.memory_space<hbm>> -> memref<256x128xf32, #tpu.memory_space<hbm>>
      %dma_start3A_107 = arith.constant 0 : i32
      %dma_start3A_108 = tpu.memref_slice %arg4[%add3A_4, %dma_start3A_107] : memref<106496x128xf32, #tpu.memory_space<hbm>> -> memref<256x128xf32, #tpu.memory_space<hbm>>
      tpu.enqueue_dma source(%arg6 : memref<256x128xf32, #tpu.memory_space<vmem>>) target(%dma_start3A_108 : memref<256x128xf32, #tpu.memory_space<hbm>>) target_semaphore(%run_scoped3A : memref<!tpu.dma_semaphore, #tpu.memory_space<semaphore_mem>>)
      %dma_wait3A_109 = arith.constant 0 : i32
      %dma_wait3A_110 = tpu.memref_slice %arg4[%add3A_4, %dma_wait3A_109] : memref<106496x128xf32, #tpu.memory_space<hbm>> -> memref<256x128xf32, #tpu.memory_space<hbm>>
      %dma_wait3A_111 = arith.constant 0 : i32
      %dma_wait3A_112 = tpu.memref_slice %arg4[%add3A_4, %dma_wait3A_111] : memref<106496x128xf32, #tpu.memory_space<hbm>> -> memref<256x128xf32, #tpu.memory_space<hbm>>
      tpu.wait_dma2 semaphore(%run_scoped3A : memref<!tpu.dma_semaphore, #tpu.memory_space<semaphore_mem>>) src(%arg6 : memref<256x128xf32, #tpu.memory_space<vmem>>) dst(%dma_wait3A_112 : memref<256x128xf32, #tpu.memory_space<hbm>>)
      tpu.yield
    }) : () -> ()
    %add3A_9 = arith.constant 256 : i32
    %add3A_10 = arith.addi %mul3A_2, %add3A_9 : i32
    "tpu.region"() ({
      %run_scoped3A = tpu.sem_alloc : memref<!tpu.dma_semaphore, #tpu.memory_space<semaphore_mem>>
      %dma_start3A_105 = tpu.memref_slice %arg3[%add3A_10] : memref<106496xi32, #tpu.memory_space<hbm>> -> memref<256xi32, #tpu.memory_space<hbm>>
      %dma_start3A_106 = tpu.memref_slice %arg3[%add3A_10] : memref<106496xi32, #tpu.memory_space<hbm>> -> memref<256xi32, #tpu.memory_space<hbm>>
      tpu.enqueue_dma source(%dma_start3A_106 : memref<256xi32, #tpu.memory_space<hbm>>) target(%arg5 : memref<256xi32, #tpu.memory_space<vmem>>) target_semaphore(%run_scoped3A : memref<!tpu.dma_semaphore, #tpu.memory_space<semaphore_mem>>)
      %dma_wait3A_107 = tpu.memref_slice %arg3[%add3A_10] : memref<106496xi32, #tpu.memory_space<hbm>> -> memref<256xi32, #tpu.memory_space<hbm>>
      %dma_wait3A_108 = tpu.memref_slice %arg3[%add3A_10] : memref<106496xi32, #tpu.memory_space<hbm>> -> memref<256xi32, #tpu.memory_space<hbm>>
      tpu.wait_dma2 semaphore(%run_scoped3A : memref<!tpu.dma_semaphore, #tpu.memory_space<semaphore_mem>>) src(%dma_wait3A_108 : memref<256xi32, #tpu.memory_space<hbm>>) dst(%arg5 : memref<256xi32, #tpu.memory_space<vmem>>)
      tpu.yield
    }) : () -> ()
    %dma_start3A_11 = arith.constant 0 : i32
    %dma_start3A_12 = arith.constant 0 : i32
    %dma_start3A_13 = tpu.memref_slice %arg2[%dma_start3A_11, %dma_start3A_12] : memref<3328x128xf32, #tpu.memory_space<hbm>> -> memref<3328x128xf32, #tpu.memory_space<hbm>>
    tpu.enqueue_indirect_dma source(%dma_start3A_13 : memref<3328x128xf32, #tpu.memory_space<hbm>>) target(%arg6 : memref<256x128xf32, #tpu.memory_space<vmem>>) offsets(%arg5 : memref<256xi32, #tpu.memory_space<vmem>>) semaphore(%arg7 : memref<!tpu.dma_semaphore, #tpu.memory_space<semaphore_mem>>)
    %dma_wait3A_14 = arith.constant 0 : i32
    %dma_wait3A_15 = arith.constant 0 : i32
    %dma_wait3A_16 = tpu.memref_slice %arg2[%dma_wait3A_14, %dma_wait3A_15] : memref<3328x128xf32, #tpu.memory_space<hbm>> -> memref<3328x128xf32, #tpu.memory_space<hbm>>
    tpu.wait_indirect_dma semaphore(%arg7 : memref<!tpu.dma_semaphore, #tpu.memory_space<semaphore_mem>>) src(%dma_wait3A_16 : memref<3328x128xf32, #tpu.memory_space<hbm>>) dst(%arg6 : memref<256x128xf32, #tpu.memory_space<vmem>>)
    "tpu.region"() ({
      %run_scoped3A = tpu.sem_alloc : memref<!tpu.dma_semaphore, #tpu.memory_space<semaphore_mem>>
      %dma_start3A_105 = arith.constant 0 : i32
      %dma_start3A_106 = tpu.memref_slice %arg4[%add3A_10, %dma_start3A_105] : memref<106496x128xf32, #tpu.memory_space<hbm>> -> memref<256x128xf32, #tpu.memory_space<hbm>>
      %dma_start3A_107 = arith.constant 0 : i32
      %dma_start3A_108 = tpu.memref_slice %arg4[%add3A_10, %dma_start3A_107] : memref<106496x128xf32, #tpu.memory_space<hbm>> -> memref<256x128xf32, #tpu.memory_space<hbm>>
      tpu.enqueue_dma source(%arg6 : memref<256x128xf32, #tpu.memory_space<vmem>>) target(%dma_start3A_108 : memref<256x128xf32, #tpu.memory_space<hbm>>) target_semaphore(%run_scoped3A : memref<!tpu.dma_semaphore, #tpu.memory_space<semaphore_mem>>)
      %dma_wait3A_109 = arith.constant 0 : i32
      %dma_wait3A_110 = tpu.memref_slice %arg4[%add3A_10, %dma_wait3A_109] : memref<106496x128xf32, #tpu.memory_space<hbm>> -> memref<256x128xf32, #tpu.memory_space<hbm>>
      %dma_wait3A_111 = arith.constant 0 : i32
      %dma_wait3A_112 = tpu.memref_slice %arg4[%add3A_10, %dma_wait3A_111] : memref<106496x128xf32, #tpu.memory_space<hbm>> -> memref<256x128xf32, #tpu.memory_space<hbm>>
      tpu.wait_dma2 semaphore(%run_scoped3A : memref<!tpu.dma_semaphore, #tpu.memory_space<semaphore_mem>>) src(%arg6 : memref<256x128xf32, #tpu.memory_space<vmem>>) dst(%dma_wait3A_112 : memref<256x128xf32, #tpu.memory_space<hbm>>)
      tpu.yield
    }) : () -> ()
    %add3A_17 = arith.constant 512 : i32
    %add3A_18 = arith.addi %mul3A_2, %add3A_17 : i32
    "tpu.region"() ({
      %run_scoped3A = tpu.sem_alloc : memref<!tpu.dma_semaphore, #tpu.memory_space<semaphore_mem>>
      %dma_start3A_105 = tpu.memref_slice %arg3[%add3A_18] : memref<106496xi32, #tpu.memory_space<hbm>> -> memref<256xi32, #tpu.memory_space<hbm>>
      %dma_start3A_106 = tpu.memref_slice %arg3[%add3A_18] : memref<106496xi32, #tpu.memory_space<hbm>> -> memref<256xi32, #tpu.memory_space<hbm>>
      tpu.enqueue_dma source(%dma_start3A_106 : memref<256xi32, #tpu.memory_space<hbm>>) target(%arg5 : memref<256xi32, #tpu.memory_space<vmem>>) target_semaphore(%run_scoped3A : memref<!tpu.dma_semaphore, #tpu.memory_space<semaphore_mem>>)
      %dma_wait3A_107 = tpu.memref_slice %arg3[%add3A_18] : memref<106496xi32, #tpu.memory_space<hbm>> -> memref<256xi32, #tpu.memory_space<hbm>>
      %dma_wait3A_108 = tpu.memref_slice %arg3[%add3A_18] : memref<106496xi32, #tpu.memory_space<hbm>> -> memref<256xi32, #tpu.memory_space<hbm>>
      tpu.wait_dma2 semaphore(%run_scoped3A : memref<!tpu.dma_semaphore, #tpu.memory_space<semaphore_mem>>) src(%dma_wait3A_108 : memref<256xi32, #tpu.memory_space<hbm>>) dst(%arg5 : memref<256xi32, #tpu.memory_space<vmem>>)
      tpu.yield
    }) : () -> ()
    %dma_start3A_19 = arith.constant 0 : i32
    %dma_start3A_20 = arith.constant 0 : i32
    %dma_start3A_21 = tpu.memref_slice %arg2[%dma_start3A_19, %dma_start3A_20] : memref<3328x128xf32, #tpu.memory_space<hbm>> -> memref<3328x128xf32, #tpu.memory_space<hbm>>
    tpu.enqueue_indirect_dma source(%dma_start3A_21 : memref<3328x128xf32, #tpu.memory_space<hbm>>) target(%arg6 : memref<256x128xf32, #tpu.memory_space<vmem>>) offsets(%arg5 : memref<256xi32, #tpu.memory_space<vmem>>) semaphore(%arg7 : memref<!tpu.dma_semaphore, #tpu.memory_space<semaphore_mem>>)
    %dma_wait3A_22 = arith.constant 0 : i32
    %dma_wait3A_23 = arith.constant 0 : i32
    %dma_wait3A_24 = tpu.memref_slice %arg2[%dma_wait3A_22, %dma_wait3A_23] : memref<3328x128xf32, #tpu.memory_space<hbm>> -> memref<3328x128xf32, #tpu.memory_space<hbm>>
    tpu.wait_indirect_dma semaphore(%arg7 : memref<!tpu.dma_semaphore, #tpu.memory_space<semaphore_mem>>) src(%dma_wait3A_24 : memref<3328x128xf32, #tpu.memory_space<hbm>>) dst(%arg6 : memref<256x128xf32, #tpu.memory_space<vmem>>)
    "tpu.region"() ({
      %run_scoped3A = tpu.sem_alloc : memref<!tpu.dma_semaphore, #tpu.memory_space<semaphore_mem>>
      %dma_start3A_105 = arith.constant 0 : i32
      %dma_start3A_106 = tpu.memref_slice %arg4[%add3A_18, %dma_start3A_105] : memref<106496x128xf32, #tpu.memory_space<hbm>> -> memref<256x128xf32, #tpu.memory_space<hbm>>
      %dma_start3A_107 = arith.constant 0 : i32
      %dma_start3A_108 = tpu.memref_slice %arg4[%add3A_18, %dma_start3A_107] : memref<106496x128xf32, #tpu.memory_space<hbm>> -> memref<256x128xf32, #tpu.memory_space<hbm>>
      tpu.enqueue_dma source(%arg6 : memref<256x128xf32, #tpu.memory_space<vmem>>) target(%dma_start3A_108 : memref<256x128xf32, #tpu.memory_space<hbm>>) target_semaphore(%run_scoped3A : memref<!tpu.dma_semaphore, #tpu.memory_space<semaphore_mem>>)
      %dma_wait3A_109 = arith.constant 0 : i32
      %dma_wait3A_110 = tpu.memref_slice %arg4[%add3A_18, %dma_wait3A_109] : memref<106496x128xf32, #tpu.memory_space<hbm>> -> memref<256x128xf32, #tpu.memory_space<hbm>>
      %dma_wait3A_111 = arith.constant 0 : i32
      %dma_wait3A_112 = tpu.memref_slice %arg4[%add3A_18, %dma_wait3A_111] : memref<106496x128xf32, #tpu.memory_space<hbm>> -> memref<256x128xf32, #tpu.memory_space<hbm>>
      tpu.wait_dma2 semaphore(%run_scoped3A : memref<!tpu.dma_semaphore, #tpu.memory_space<semaphore_mem>>) src(%arg6 : memref<256x128xf32, #tpu.memory_space<vmem>>) dst(%dma_wait3A_112 : memref<256x128xf32, #tpu.memory_space<hbm>>)
      tpu.yield
    }) : () -> ()
    %add3A_25 = arith.constant 768 : i32
    %add3A_26 = arith.addi %mul3A_2, %add3A_25 : i32
    "tpu.region"() ({
      %run_scoped3A = tpu.sem_alloc : memref<!tpu.dma_semaphore, #tpu.memory_space<semaphore_mem>>
      %dma_start3A_105 = tpu.memref_slice %arg3[%add3A_26] : memref<106496xi32, #tpu.memory_space<hbm>> -> memref<256xi32, #tpu.memory_space<hbm>>
      %dma_start3A_106 = tpu.memref_slice %arg3[%add3A_26] : memref<106496xi32, #tpu.memory_space<hbm>> -> memref<256xi32, #tpu.memory_space<hbm>>
      tpu.enqueue_dma source(%dma_start3A_106 : memref<256xi32, #tpu.memory_space<hbm>>) target(%arg5 : memref<256xi32, #tpu.memory_space<vmem>>) target_semaphore(%run_scoped3A : memref<!tpu.dma_semaphore, #tpu.memory_space<semaphore_mem>>)
      %dma_wait3A_107 = tpu.memref_slice %arg3[%add3A_26] : memref<106496xi32, #tpu.memory_space<hbm>> -> memref<256xi32, #tpu.memory_space<hbm>>
      %dma_wait3A_108 = tpu.memref_slice %arg3[%add3A_26] : memref<106496xi32, #tpu.memory_space<hbm>> -> memref<256xi32, #tpu.memory_space<hbm>>
      tpu.wait_dma2 semaphore(%run_scoped3A : memref<!tpu.dma_semaphore, #tpu.memory_space<semaphore_mem>>) src(%dma_wait3A_108 : memref<256xi32, #tpu.memory_space<hbm>>) dst(%arg5 : memref<256xi32, #tpu.memory_space<vmem>>)
      tpu.yield
    }) : () -> ()
    %dma_start3A_27 = arith.constant 0 : i32
    %dma_start3A_28 = arith.constant 0 : i32
    %dma_start3A_29 = tpu.memref_slice %arg2[%dma_start3A_27, %dma_start3A_28] : memref<3328x128xf32, #tpu.memory_space<hbm>> -> memref<3328x128xf32, #tpu.memory_space<hbm>>
    tpu.enqueue_indirect_dma source(%dma_start3A_29 : memref<3328x128xf32, #tpu.memory_space<hbm>>) target(%arg6 : memref<256x128xf32, #tpu.memory_space<vmem>>) offsets(%arg5 : memref<256xi32, #tpu.memory_space<vmem>>) semaphore(%arg7 : memref<!tpu.dma_semaphore, #tpu.memory_space<semaphore_mem>>)
    %dma_wait3A_30 = arith.constant 0 : i32
    %dma_wait3A_31 = arith.constant 0 : i32
    %dma_wait3A_32 = tpu.memref_slice %arg2[%dma_wait3A_30, %dma_wait3A_31] : memref<3328x128xf32, #tpu.memory_space<hbm>> -> memref<3328x128xf32, #tpu.memory_space<hbm>>
    tpu.wait_indirect_dma semaphore(%arg7 : memref<!tpu.dma_semaphore, #tpu.memory_space<semaphore_mem>>) src(%dma_wait3A_32 : memref<3328x128xf32, #tpu.memory_space<hbm>>) dst(%arg6 : memref<256x128xf32, #tpu.memory_space<vmem>>)
    "tpu.region"() ({
      %run_scoped3A = tpu.sem_alloc : memref<!tpu.dma_semaphore, #tpu.memory_space<semaphore_mem>>
      %dma_start3A_105 = arith.constant 0 : i32
      %dma_start3A_106 = tpu.memref_slice %arg4[%add3A_26, %dma_start3A_105] : memref<106496x128xf32, #tpu.memory_space<hbm>> -> memref<256x128xf32, #tpu.memory_space<hbm>>
      %dma_start3A_107 = arith.constant 0 : i32
      %dma_start3A_108 = tpu.memref_slice %arg4[%add3A_26, %dma_start3A_107] : memref<106496x128xf32, #tpu.memory_space<hbm>> -> memref<256x128xf32, #tpu.memory_space<hbm>>
      tpu.enqueue_dma source(%arg6 : memref<256x128xf32, #tpu.memory_space<vmem>>) target(%dma_start3A_108 : memref<256x128xf32, #tpu.memory_space<hbm>>) target_semaphore(%run_scoped3A : memref<!tpu.dma_semaphore, #tpu.memory_space<semaphore_mem>>)
      %dma_wait3A_109 = arith.constant 0 : i32
      %dma_wait3A_110 = tpu.memref_slice %arg4[%add3A_26, %dma_wait3A_109] : memref<106496x128xf32, #tpu.memory_space<hbm>> -> memref<256x128xf32, #tpu.memory_space<hbm>>
      %dma_wait3A_111 = arith.constant 0 : i32
      %dma_wait3A_112 = tpu.memref_slice %arg4[%add3A_26, %dma_wait3A_111] : memref<106496x128xf32, #tpu.memory_space<hbm>> -> memref<256x128xf32, #tpu.memory_space<hbm>>
      tpu.wait_dma2 semaphore(%run_scoped3A : memref<!tpu.dma_semaphore, #tpu.memory_space<semaphore_mem>>) src(%arg6 : memref<256x128xf32, #tpu.memory_space<vmem>>) dst(%dma_wait3A_112 : memref<256x128xf32, #tpu.memory_space<hbm>>)
      tpu.yield
    }) : () -> ()
    %add3A_33 = arith.constant 1024 : i32
    %add3A_34 = arith.addi %mul3A_2, %add3A_33 : i32
    "tpu.region"() ({
      %run_scoped3A = tpu.sem_alloc : memref<!tpu.dma_semaphore, #tpu.memory_space<semaphore_mem>>
      %dma_start3A_105 = tpu.memref_slice %arg3[%add3A_34] : memref<106496xi32, #tpu.memory_space<hbm>> -> memref<256xi32, #tpu.memory_space<hbm>>
      %dma_start3A_106 = tpu.memref_slice %arg3[%add3A_34] : memref<106496xi32, #tpu.memory_space<hbm>> -> memref<256xi32, #tpu.memory_space<hbm>>
      tpu.enqueue_dma source(%dma_start3A_106 : memref<256xi32, #tpu.memory_space<hbm>>) target(%arg5 : memref<256xi32, #tpu.memory_space<vmem>>) target_semaphore(%run_scoped3A : memref<!tpu.dma_semaphore, #tpu.memory_space<semaphore_mem>>)
      %dma_wait3A_107 = tpu.memref_slice %arg3[%add3A_34] : memref<106496xi32, #tpu.memory_space<hbm>> -> memref<256xi32, #tpu.memory_space<hbm>>
      %dma_wait3A_108 = tpu.memref_slice %arg3[%add3A_34] : memref<106496xi32, #tpu.memory_space<hbm>> -> memref<256xi32, #tpu.memory_space<hbm>>
      tpu.wait_dma2 semaphore(%run_scoped3A : memref<!tpu.dma_semaphore, #tpu.memory_space<semaphore_mem>>) src(%dma_wait3A_108 : memref<256xi32, #tpu.memory_space<hbm>>) dst(%arg5 : memref<256xi32, #tpu.memory_space<vmem>>)
      tpu.yield
    }) : () -> ()
    %dma_start3A_35 = arith.constant 0 : i32
    %dma_start3A_36 = arith.constant 0 : i32
    %dma_start3A_37 = tpu.memref_slice %arg2[%dma_start3A_35, %dma_start3A_36] : memref<3328x128xf32, #tpu.memory_space<hbm>> -> memref<3328x128xf32, #tpu.memory_space<hbm>>
    tpu.enqueue_indirect_dma source(%dma_start3A_37 : memref<3328x128xf32, #tpu.memory_space<hbm>>) target(%arg6 : memref<256x128xf32, #tpu.memory_space<vmem>>) offsets(%arg5 : memref<256xi32, #tpu.memory_space<vmem>>) semaphore(%arg7 : memref<!tpu.dma_semaphore, #tpu.memory_space<semaphore_mem>>)
    %dma_wait3A_38 = arith.constant 0 : i32
    %dma_wait3A_39 = arith.constant 0 : i32
    %dma_wait3A_40 = tpu.memref_slice %arg2[%dma_wait3A_38, %dma_wait3A_39] : memref<3328x128xf32, #tpu.memory_space<hbm>> -> memref<3328x128xf32, #tpu.memory_space<hbm>>
    tpu.wait_indirect_dma semaphore(%arg7 : memref<!tpu.dma_semaphore, #tpu.memory_space<semaphore_mem>>) src(%dma_wait3A_40 : memref<3328x128xf32, #tpu.memory_space<hbm>>) dst(%arg6 : memref<256x128xf32, #tpu.memory_space<vmem>>)
    "tpu.region"() ({
      %run_scoped3A = tpu.sem_alloc : memref<!tpu.dma_semaphore, #tpu.memory_space<semaphore_mem>>
      %dma_start3A_105 = arith.constant 0 : i32
      %dma_start3A_106 = tpu.memref_slice %arg4[%add3A_34, %dma_start3A_105] : memref<106496x128xf32, #tpu.memory_space<hbm>> -> memref<256x128xf32, #tpu.memory_space<hbm>>
      %dma_start3A_107 = arith.constant 0 : i32
      %dma_start3A_108 = tpu.memref_slice %arg4[%add3A_34, %dma_start3A_107] : memref<106496x128xf32, #tpu.memory_space<hbm>> -> memref<256x128xf32, #tpu.memory_space<hbm>>
      tpu.enqueue_dma source(%arg6 : memref<256x128xf32, #tpu.memory_space<vmem>>) target(%dma_start3A_108 : memref<256x128xf32, #tpu.memory_space<hbm>>) target_semaphore(%run_scoped3A : memref<!tpu.dma_semaphore, #tpu.memory_space<semaphore_mem>>)
      %dma_wait3A_109 = arith.constant 0 : i32
      %dma_wait3A_110 = tpu.memref_slice %arg4[%add3A_34, %dma_wait3A_109] : memref<106496x128xf32, #tpu.memory_space<hbm>> -> memref<256x128xf32, #tpu.memory_space<hbm>>
      %dma_wait3A_111 = arith.constant 0 : i32
      %dma_wait3A_112 = tpu.memref_slice %arg4[%add3A_34, %dma_wait3A_111] : memref<106496x128xf32, #tpu.memory_space<hbm>> -> memref<256x128xf32, #tpu.memory_space<hbm>>
      tpu.wait_dma2 semaphore(%run_scoped3A : memref<!tpu.dma_semaphore, #tpu.memory_space<semaphore_mem>>) src(%arg6 : memref<256x128xf32, #tpu.memory_space<vmem>>) dst(%dma_wait3A_112 : memref<256x128xf32, #tpu.memory_space<hbm>>)
      tpu.yield
    }) : () -> ()
    %add3A_41 = arith.constant 1280 : i32
    %add3A_42 = arith.addi %mul3A_2, %add3A_41 : i32
    "tpu.region"() ({
      %run_scoped3A = tpu.sem_alloc : memref<!tpu.dma_semaphore, #tpu.memory_space<semaphore_mem>>
      %dma_start3A_105 = tpu.memref_slice %arg3[%add3A_42] : memref<106496xi32, #tpu.memory_space<hbm>> -> memref<256xi32, #tpu.memory_space<hbm>>
      %dma_start3A_106 = tpu.memref_slice %arg3[%add3A_42] : memref<106496xi32, #tpu.memory_space<hbm>> -> memref<256xi32, #tpu.memory_space<hbm>>
      tpu.enqueue_dma source(%dma_start3A_106 : memref<256xi32, #tpu.memory_space<hbm>>) target(%arg5 : memref<256xi32, #tpu.memory_space<vmem>>) target_semaphore(%run_scoped3A : memref<!tpu.dma_semaphore, #tpu.memory_space<semaphore_mem>>)
      %dma_wait3A_107 = tpu.memref_slice %arg3[%add3A_42] : memref<106496xi32, #tpu.memory_space<hbm>> -> memref<256xi32, #tpu.memory_space<hbm>>
      %dma_wait3A_108 = tpu.memref_slice %arg3[%add3A_42] : memref<106496xi32, #tpu.memory_space<hbm>> -> memref<256xi32, #tpu.memory_space<hbm>>
      tpu.wait_dma2 semaphore(%run_scoped3A : memref<!tpu.dma_semaphore, #tpu.memory_space<semaphore_mem>>) src(%dma_wait3A_108 : memref<256xi32, #tpu.memory_space<hbm>>) dst(%arg5 : memref<256xi32, #tpu.memory_space<vmem>>)
      tpu.yield
    }) : () -> ()
    %dma_start3A_43 = arith.constant 0 : i32
    %dma_start3A_44 = arith.constant 0 : i32
    %dma_start3A_45 = tpu.memref_slice %arg2[%dma_start3A_43, %dma_start3A_44] : memref<3328x128xf32, #tpu.memory_space<hbm>> -> memref<3328x128xf32, #tpu.memory_space<hbm>>
    tpu.enqueue_indirect_dma source(%dma_start3A_45 : memref<3328x128xf32, #tpu.memory_space<hbm>>) target(%arg6 : memref<256x128xf32, #tpu.memory_space<vmem>>) offsets(%arg5 : memref<256xi32, #tpu.memory_space<vmem>>) semaphore(%arg7 : memref<!tpu.dma_semaphore, #tpu.memory_space<semaphore_mem>>)
    %dma_wait3A_46 = arith.constant 0 : i32
    %dma_wait3A_47 = arith.constant 0 : i32
    %dma_wait3A_48 = tpu.memref_slice %arg2[%dma_wait3A_46, %dma_wait3A_47] : memref<3328x128xf32, #tpu.memory_space<hbm>> -> memref<3328x128xf32, #tpu.memory_space<hbm>>
    tpu.wait_indirect_dma semaphore(%arg7 : memref<!tpu.dma_semaphore, #tpu.memory_space<semaphore_mem>>) src(%dma_wait3A_48 : memref<3328x128xf32, #tpu.memory_space<hbm>>) dst(%arg6 : memref<256x128xf32, #tpu.memory_space<vmem>>)
    "tpu.region"() ({
      %run_scoped3A = tpu.sem_alloc : memref<!tpu.dma_semaphore, #tpu.memory_space<semaphore_mem>>
      %dma_start3A_105 = arith.constant 0 : i32
      %dma_start3A_106 = tpu.memref_slice %arg4[%add3A_42, %dma_start3A_105] : memref<106496x128xf32, #tpu.memory_space<hbm>> -> memref<256x128xf32, #tpu.memory_space<hbm>>
      %dma_start3A_107 = arith.constant 0 : i32
      %dma_start3A_108 = tpu.memref_slice %arg4[%add3A_42, %dma_start3A_107] : memref<106496x128xf32, #tpu.memory_space<hbm>> -> memref<256x128xf32, #tpu.memory_space<hbm>>
      tpu.enqueue_dma source(%arg6 : memref<256x128xf32, #tpu.memory_space<vmem>>) target(%dma_start3A_108 : memref<256x128xf32, #tpu.memory_space<hbm>>) target_semaphore(%run_scoped3A : memref<!tpu.dma_semaphore, #tpu.memory_space<semaphore_mem>>)
      %dma_wait3A_109 = arith.constant 0 : i32
      %dma_wait3A_110 = tpu.memref_slice %arg4[%add3A_42, %dma_wait3A_109] : memref<106496x128xf32, #tpu.memory_space<hbm>> -> memref<256x128xf32, #tpu.memory_space<hbm>>
      %dma_wait3A_111 = arith.constant 0 : i32
      %dma_wait3A_112 = tpu.memref_slice %arg4[%add3A_42, %dma_wait3A_111] : memref<106496x128xf32, #tpu.memory_space<hbm>> -> memref<256x128xf32, #tpu.memory_space<hbm>>
      tpu.wait_dma2 semaphore(%run_scoped3A : memref<!tpu.dma_semaphore, #tpu.memory_space<semaphore_mem>>) src(%arg6 : memref<256x128xf32, #tpu.memory_space<vmem>>) dst(%dma_wait3A_112 : memref<256x128xf32, #tpu.memory_space<hbm>>)
      tpu.yield
    }) : () -> ()
    %add3A_49 = arith.constant 1536 : i32
    %add3A_50 = arith.addi %mul3A_2, %add3A_49 : i32
    "tpu.region"() ({
      %run_scoped3A = tpu.sem_alloc : memref<!tpu.dma_semaphore, #tpu.memory_space<semaphore_mem>>
      %dma_start3A_105 = tpu.memref_slice %arg3[%add3A_50] : memref<106496xi32, #tpu.memory_space<hbm>> -> memref<256xi32, #tpu.memory_space<hbm>>
      %dma_start3A_106 = tpu.memref_slice %arg3[%add3A_50] : memref<106496xi32, #tpu.memory_space<hbm>> -> memref<256xi32, #tpu.memory_space<hbm>>
      tpu.enqueue_dma source(%dma_start3A_106 : memref<256xi32, #tpu.memory_space<hbm>>) target(%arg5 : memref<256xi32, #tpu.memory_space<vmem>>) target_semaphore(%run_scoped3A : memref<!tpu.dma_semaphore, #tpu.memory_space<semaphore_mem>>)
      %dma_wait3A_107 = tpu.memref_slice %arg3[%add3A_50] : memref<106496xi32, #tpu.memory_space<hbm>> -> memref<256xi32, #tpu.memory_space<hbm>>
      %dma_wait3A_108 = tpu.memref_slice %arg3[%add3A_50] : memref<106496xi32, #tpu.memory_space<hbm>> -> memref<256xi32, #tpu.memory_space<hbm>>
      tpu.wait_dma2 semaphore(%run_scoped3A : memref<!tpu.dma_semaphore, #tpu.memory_space<semaphore_mem>>) src(%dma_wait3A_108 : memref<256xi32, #tpu.memory_space<hbm>>) dst(%arg5 : memref<256xi32, #tpu.memory_space<vmem>>)
      tpu.yield
    }) : () -> ()
    %dma_start3A_51 = arith.constant 0 : i32
    %dma_start3A_52 = arith.constant 0 : i32
    %dma_start3A_53 = tpu.memref_slice %arg2[%dma_start3A_51, %dma_start3A_52] : memref<3328x128xf32, #tpu.memory_space<hbm>> -> memref<3328x128xf32, #tpu.memory_space<hbm>>
    tpu.enqueue_indirect_dma source(%dma_start3A_53 : memref<3328x128xf32, #tpu.memory_space<hbm>>) target(%arg6 : memref<256x128xf32, #tpu.memory_space<vmem>>) offsets(%arg5 : memref<256xi32, #tpu.memory_space<vmem>>) semaphore(%arg7 : memref<!tpu.dma_semaphore, #tpu.memory_space<semaphore_mem>>)
    %dma_wait3A_54 = arith.constant 0 : i32
    %dma_wait3A_55 = arith.constant 0 : i32
    %dma_wait3A_56 = tpu.memref_slice %arg2[%dma_wait3A_54, %dma_wait3A_55] : memref<3328x128xf32, #tpu.memory_space<hbm>> -> memref<3328x128xf32, #tpu.memory_space<hbm>>
    tpu.wait_indirect_dma semaphore(%arg7 : memref<!tpu.dma_semaphore, #tpu.memory_space<semaphore_mem>>) src(%dma_wait3A_56 : memref<3328x128xf32, #tpu.memory_space<hbm>>) dst(%arg6 : memref<256x128xf32, #tpu.memory_space<vmem>>)
    "tpu.region"() ({
      %run_scoped3A = tpu.sem_alloc : memref<!tpu.dma_semaphore, #tpu.memory_space<semaphore_mem>>
      %dma_start3A_105 = arith.constant 0 : i32
      %dma_start3A_106 = tpu.memref_slice %arg4[%add3A_50, %dma_start3A_105] : memref<106496x128xf32, #tpu.memory_space<hbm>> -> memref<256x128xf32, #tpu.memory_space<hbm>>
      %dma_start3A_107 = arith.constant 0 : i32
      %dma_start3A_108 = tpu.memref_slice %arg4[%add3A_50, %dma_start3A_107] : memref<106496x128xf32, #tpu.memory_space<hbm>> -> memref<256x128xf32, #tpu.memory_space<hbm>>
      tpu.enqueue_dma source(%arg6 : memref<256x128xf32, #tpu.memory_space<vmem>>) target(%dma_start3A_108 : memref<256x128xf32, #tpu.memory_space<hbm>>) target_semaphore(%run_scoped3A : memref<!tpu.dma_semaphore, #tpu.memory_space<semaphore_mem>>)
      %dma_wait3A_109 = arith.constant 0 : i32
      %dma_wait3A_110 = tpu.memref_slice %arg4[%add3A_50, %dma_wait3A_109] : memref<106496x128xf32, #tpu.memory_space<hbm>> -> memref<256x128xf32, #tpu.memory_space<hbm>>
      %dma_wait3A_111 = arith.constant 0 : i32
      %dma_wait3A_112 = tpu.memref_slice %arg4[%add3A_50, %dma_wait3A_111] : memref<106496x128xf32, #tpu.memory_space<hbm>> -> memref<256x128xf32, #tpu.memory_space<hbm>>
      tpu.wait_dma2 semaphore(%run_scoped3A : memref<!tpu.dma_semaphore, #tpu.memory_space<semaphore_mem>>) src(%arg6 : memref<256x128xf32, #tpu.memory_space<vmem>>) dst(%dma_wait3A_112 : memref<256x128xf32, #tpu.memory_space<hbm>>)
      tpu.yield
    }) : () -> ()
    %add3A_57 = arith.constant 1792 : i32
    %add3A_58 = arith.addi %mul3A_2, %add3A_57 : i32
    "tpu.region"() ({
      %run_scoped3A = tpu.sem_alloc : memref<!tpu.dma_semaphore, #tpu.memory_space<semaphore_mem>>
      %dma_start3A_105 = tpu.memref_slice %arg3[%add3A_58] : memref<106496xi32, #tpu.memory_space<hbm>> -> memref<256xi32, #tpu.memory_space<hbm>>
      %dma_start3A_106 = tpu.memref_slice %arg3[%add3A_58] : memref<106496xi32, #tpu.memory_space<hbm>> -> memref<256xi32, #tpu.memory_space<hbm>>
      tpu.enqueue_dma source(%dma_start3A_106 : memref<256xi32, #tpu.memory_space<hbm>>) target(%arg5 : memref<256xi32, #tpu.memory_space<vmem>>) target_semaphore(%run_scoped3A : memref<!tpu.dma_semaphore, #tpu.memory_space<semaphore_mem>>)
      %dma_wait3A_107 = tpu.memref_slice %arg3[%add3A_58] : memref<106496xi32, #tpu.memory_space<hbm>> -> memref<256xi32, #tpu.memory_space<hbm>>
      %dma_wait3A_108 = tpu.memref_slice %arg3[%add3A_58] : memref<106496xi32, #tpu.memory_space<hbm>> -> memref<256xi32, #tpu.memory_space<hbm>>
      tpu.wait_dma2 semaphore(%run_scoped3A : memref<!tpu.dma_semaphore, #tpu.memory_space<semaphore_mem>>) src(%dma_wait3A_108 : memref<256xi32, #tpu.memory_space<hbm>>) dst(%arg5 : memref<256xi32, #tpu.memory_space<vmem>>)
      tpu.yield
    }) : () -> ()
    %dma_start3A_59 = arith.constant 0 : i32
    %dma_start3A_60 = arith.constant 0 : i32
    %dma_start3A_61 = tpu.memref_slice %arg2[%dma_start3A_59, %dma_start3A_60] : memref<3328x128xf32, #tpu.memory_space<hbm>> -> memref<3328x128xf32, #tpu.memory_space<hbm>>
    tpu.enqueue_indirect_dma source(%dma_start3A_61 : memref<3328x128xf32, #tpu.memory_space<hbm>>) target(%arg6 : memref<256x128xf32, #tpu.memory_space<vmem>>) offsets(%arg5 : memref<256xi32, #tpu.memory_space<vmem>>) semaphore(%arg7 : memref<!tpu.dma_semaphore, #tpu.memory_space<semaphore_mem>>)
    %dma_wait3A_62 = arith.constant 0 : i32
    %dma_wait3A_63 = arith.constant 0 : i32
    %dma_wait3A_64 = tpu.memref_slice %arg2[%dma_wait3A_62, %dma_wait3A_63] : memref<3328x128xf32, #tpu.memory_space<hbm>> -> memref<3328x128xf32, #tpu.memory_space<hbm>>
    tpu.wait_indirect_dma semaphore(%arg7 : memref<!tpu.dma_semaphore, #tpu.memory_space<semaphore_mem>>) src(%dma_wait3A_64 : memref<3328x128xf32, #tpu.memory_space<hbm>>) dst(%arg6 : memref<256x128xf32, #tpu.memory_space<vmem>>)
    "tpu.region"() ({
      %run_scoped3A = tpu.sem_alloc : memref<!tpu.dma_semaphore, #tpu.memory_space<semaphore_mem>>
      %dma_start3A_105 = arith.constant 0 : i32
      %dma_start3A_106 = tpu.memref_slice %arg4[%add3A_58, %dma_start3A_105] : memref<106496x128xf32, #tpu.memory_space<hbm>> -> memref<256x128xf32, #tpu.memory_space<hbm>>
      %dma_start3A_107 = arith.constant 0 : i32
      %dma_start3A_108 = tpu.memref_slice %arg4[%add3A_58, %dma_start3A_107] : memref<106496x128xf32, #tpu.memory_space<hbm>> -> memref<256x128xf32, #tpu.memory_space<hbm>>
      tpu.enqueue_dma source(%arg6 : memref<256x128xf32, #tpu.memory_space<vmem>>) target(%dma_start3A_108 : memref<256x128xf32, #tpu.memory_space<hbm>>) target_semaphore(%run_scoped3A : memref<!tpu.dma_semaphore, #tpu.memory_space<semaphore_mem>>)
      %dma_wait3A_109 = arith.constant 0 : i32
      %dma_wait3A_110 = tpu.memref_slice %arg4[%add3A_58, %dma_wait3A_109] : memref<106496x128xf32, #tpu.memory_space<hbm>> -> memref<256x128xf32, #tpu.memory_space<hbm>>
      %dma_wait3A_111 = arith.constant 0 : i32
      %dma_wait3A_112 = tpu.memref_slice %arg4[%add3A_58, %dma_wait3A_111] : memref<106496x128xf32, #tpu.memory_space<hbm>> -> memref<256x128xf32, #tpu.memory_space<hbm>>
      tpu.wait_dma2 semaphore(%run_scoped3A : memref<!tpu.dma_semaphore, #tpu.memory_space<semaphore_mem>>) src(%arg6 : memref<256x128xf32, #tpu.memory_space<vmem>>) dst(%dma_wait3A_112 : memref<256x128xf32, #tpu.memory_space<hbm>>)
      tpu.yield
    }) : () -> ()
    %add3A_65 = arith.constant 2048 : i32
    %add3A_66 = arith.addi %mul3A_2, %add3A_65 : i32
    "tpu.region"() ({
      %run_scoped3A = tpu.sem_alloc : memref<!tpu.dma_semaphore, #tpu.memory_space<semaphore_mem>>
      %dma_start3A_105 = tpu.memref_slice %arg3[%add3A_66] : memref<106496xi32, #tpu.memory_space<hbm>> -> memref<256xi32, #tpu.memory_space<hbm>>
      %dma_start3A_106 = tpu.memref_slice %arg3[%add3A_66] : memref<106496xi32, #tpu.memory_space<hbm>> -> memref<256xi32, #tpu.memory_space<hbm>>
      tpu.enqueue_dma source(%dma_start3A_106 : memref<256xi32, #tpu.memory_space<hbm>>) target(%arg5 : memref<256xi32, #tpu.memory_space<vmem>>) target_semaphore(%run_scoped3A : memref<!tpu.dma_semaphore, #tpu.memory_space<semaphore_mem>>)
      %dma_wait3A_107 = tpu.memref_slice %arg3[%add3A_66] : memref<106496xi32, #tpu.memory_space<hbm>> -> memref<256xi32, #tpu.memory_space<hbm>>
      %dma_wait3A_108 = tpu.memref_slice %arg3[%add3A_66] : memref<106496xi32, #tpu.memory_space<hbm>> -> memref<256xi32, #tpu.memory_space<hbm>>
      tpu.wait_dma2 semaphore(%run_scoped3A : memref<!tpu.dma_semaphore, #tpu.memory_space<semaphore_mem>>) src(%dma_wait3A_108 : memref<256xi32, #tpu.memory_space<hbm>>) dst(%arg5 : memref<256xi32, #tpu.memory_space<vmem>>)
      tpu.yield
    }) : () -> ()
    %dma_start3A_67 = arith.constant 0 : i32
    %dma_start3A_68 = arith.constant 0 : i32
    %dma_start3A_69 = tpu.memref_slice %arg2[%dma_start3A_67, %dma_start3A_68] : memref<3328x128xf32, #tpu.memory_space<hbm>> -> memref<3328x128xf32, #tpu.memory_space<hbm>>
    tpu.enqueue_indirect_dma source(%dma_start3A_69 : memref<3328x128xf32, #tpu.memory_space<hbm>>) target(%arg6 : memref<256x128xf32, #tpu.memory_space<vmem>>) offsets(%arg5 : memref<256xi32, #tpu.memory_space<vmem>>) semaphore(%arg7 : memref<!tpu.dma_semaphore, #tpu.memory_space<semaphore_mem>>)
    %dma_wait3A_70 = arith.constant 0 : i32
    %dma_wait3A_71 = arith.constant 0 : i32
    %dma_wait3A_72 = tpu.memref_slice %arg2[%dma_wait3A_70, %dma_wait3A_71] : memref<3328x128xf32, #tpu.memory_space<hbm>> -> memref<3328x128xf32, #tpu.memory_space<hbm>>
    tpu.wait_indirect_dma semaphore(%arg7 : memref<!tpu.dma_semaphore, #tpu.memory_space<semaphore_mem>>) src(%dma_wait3A_72 : memref<3328x128xf32, #tpu.memory_space<hbm>>) dst(%arg6 : memref<256x128xf32, #tpu.memory_space<vmem>>)
    "tpu.region"() ({
      %run_scoped3A = tpu.sem_alloc : memref<!tpu.dma_semaphore, #tpu.memory_space<semaphore_mem>>
      %dma_start3A_105 = arith.constant 0 : i32
      %dma_start3A_106 = tpu.memref_slice %arg4[%add3A_66, %dma_start3A_105] : memref<106496x128xf32, #tpu.memory_space<hbm>> -> memref<256x128xf32, #tpu.memory_space<hbm>>
      %dma_start3A_107 = arith.constant 0 : i32
      %dma_start3A_108 = tpu.memref_slice %arg4[%add3A_66, %dma_start3A_107] : memref<106496x128xf32, #tpu.memory_space<hbm>> -> memref<256x128xf32, #tpu.memory_space<hbm>>
      tpu.enqueue_dma source(%arg6 : memref<256x128xf32, #tpu.memory_space<vmem>>) target(%dma_start3A_108 : memref<256x128xf32, #tpu.memory_space<hbm>>) target_semaphore(%run_scoped3A : memref<!tpu.dma_semaphore, #tpu.memory_space<semaphore_mem>>)
      %dma_wait3A_109 = arith.constant 0 : i32
      %dma_wait3A_110 = tpu.memref_slice %arg4[%add3A_66, %dma_wait3A_109] : memref<106496x128xf32, #tpu.memory_space<hbm>> -> memref<256x128xf32, #tpu.memory_space<hbm>>
      %dma_wait3A_111 = arith.constant 0 : i32
      %dma_wait3A_112 = tpu.memref_slice %arg4[%add3A_66, %dma_wait3A_111] : memref<106496x128xf32, #tpu.memory_space<hbm>> -> memref<256x128xf32, #tpu.memory_space<hbm>>
      tpu.wait_dma2 semaphore(%run_scoped3A : memref<!tpu.dma_semaphore, #tpu.memory_space<semaphore_mem>>) src(%arg6 : memref<256x128xf32, #tpu.memory_space<vmem>>) dst(%dma_wait3A_112 : memref<256x128xf32, #tpu.memory_space<hbm>>)
      tpu.yield
    }) : () -> ()
    %add3A_73 = arith.constant 2304 : i32
    %add3A_74 = arith.addi %mul3A_2, %add3A_73 : i32
    "tpu.region"() ({
      %run_scoped3A = tpu.sem_alloc : memref<!tpu.dma_semaphore, #tpu.memory_space<semaphore_mem>>
      %dma_start3A_105 = tpu.memref_slice %arg3[%add3A_74] : memref<106496xi32, #tpu.memory_space<hbm>> -> memref<256xi32, #tpu.memory_space<hbm>>
      %dma_start3A_106 = tpu.memref_slice %arg3[%add3A_74] : memref<106496xi32, #tpu.memory_space<hbm>> -> memref<256xi32, #tpu.memory_space<hbm>>
      tpu.enqueue_dma source(%dma_start3A_106 : memref<256xi32, #tpu.memory_space<hbm>>) target(%arg5 : memref<256xi32, #tpu.memory_space<vmem>>) target_semaphore(%run_scoped3A : memref<!tpu.dma_semaphore, #tpu.memory_space<semaphore_mem>>)
      %dma_wait3A_107 = tpu.memref_slice %arg3[%add3A_74] : memref<106496xi32, #tpu.memory_space<hbm>> -> memref<256xi32, #tpu.memory_space<hbm>>
      %dma_wait3A_108 = tpu.memref_slice %arg3[%add3A_74] : memref<106496xi32, #tpu.memory_space<hbm>> -> memref<256xi32, #tpu.memory_space<hbm>>
      tpu.wait_dma2 semaphore(%run_scoped3A : memref<!tpu.dma_semaphore, #tpu.memory_space<semaphore_mem>>) src(%dma_wait3A_108 : memref<256xi32, #tpu.memory_space<hbm>>) dst(%arg5 : memref<256xi32, #tpu.memory_space<vmem>>)
      tpu.yield
    }) : () -> ()
    %dma_start3A_75 = arith.constant 0 : i32
    %dma_start3A_76 = arith.constant 0 : i32
    %dma_start3A_77 = tpu.memref_slice %arg2[%dma_start3A_75, %dma_start3A_76] : memref<3328x128xf32, #tpu.memory_space<hbm>> -> memref<3328x128xf32, #tpu.memory_space<hbm>>
    tpu.enqueue_indirect_dma source(%dma_start3A_77 : memref<3328x128xf32, #tpu.memory_space<hbm>>) target(%arg6 : memref<256x128xf32, #tpu.memory_space<vmem>>) offsets(%arg5 : memref<256xi32, #tpu.memory_space<vmem>>) semaphore(%arg7 : memref<!tpu.dma_semaphore, #tpu.memory_space<semaphore_mem>>)
    %dma_wait3A_78 = arith.constant 0 : i32
    %dma_wait3A_79 = arith.constant 0 : i32
    %dma_wait3A_80 = tpu.memref_slice %arg2[%dma_wait3A_78, %dma_wait3A_79] : memref<3328x128xf32, #tpu.memory_space<hbm>> -> memref<3328x128xf32, #tpu.memory_space<hbm>>
    tpu.wait_indirect_dma semaphore(%arg7 : memref<!tpu.dma_semaphore, #tpu.memory_space<semaphore_mem>>) src(%dma_wait3A_80 : memref<3328x128xf32, #tpu.memory_space<hbm>>) dst(%arg6 : memref<256x128xf32, #tpu.memory_space<vmem>>)
    "tpu.region"() ({
      %run_scoped3A = tpu.sem_alloc : memref<!tpu.dma_semaphore, #tpu.memory_space<semaphore_mem>>
      %dma_start3A_105 = arith.constant 0 : i32
      %dma_start3A_106 = tpu.memref_slice %arg4[%add3A_74, %dma_start3A_105] : memref<106496x128xf32, #tpu.memory_space<hbm>> -> memref<256x128xf32, #tpu.memory_space<hbm>>
      %dma_start3A_107 = arith.constant 0 : i32
      %dma_start3A_108 = tpu.memref_slice %arg4[%add3A_74, %dma_start3A_107] : memref<106496x128xf32, #tpu.memory_space<hbm>> -> memref<256x128xf32, #tpu.memory_space<hbm>>
      tpu.enqueue_dma source(%arg6 : memref<256x128xf32, #tpu.memory_space<vmem>>) target(%dma_start3A_108 : memref<256x128xf32, #tpu.memory_space<hbm>>) target_semaphore(%run_scoped3A : memref<!tpu.dma_semaphore, #tpu.memory_space<semaphore_mem>>)
      %dma_wait3A_109 = arith.constant 0 : i32
      %dma_wait3A_110 = tpu.memref_slice %arg4[%add3A_74, %dma_wait3A_109] : memref<106496x128xf32, #tpu.memory_space<hbm>> -> memref<256x128xf32, #tpu.memory_space<hbm>>
      %dma_wait3A_111 = arith.constant 0 : i32
      %dma_wait3A_112 = tpu.memref_slice %arg4[%add3A_74, %dma_wait3A_111] : memref<106496x128xf32, #tpu.memory_space<hbm>> -> memref<256x128xf32, #tpu.memory_space<hbm>>
      tpu.wait_dma2 semaphore(%run_scoped3A : memref<!tpu.dma_semaphore, #tpu.memory_space<semaphore_mem>>) src(%arg6 : memref<256x128xf32, #tpu.memory_space<vmem>>) dst(%dma_wait3A_112 : memref<256x128xf32, #tpu.memory_space<hbm>>)
      tpu.yield
    }) : () -> ()
    %add3A_81 = arith.constant 2560 : i32
    %add3A_82 = arith.addi %mul3A_2, %add3A_81 : i32
    "tpu.region"() ({
      %run_scoped3A = tpu.sem_alloc : memref<!tpu.dma_semaphore, #tpu.memory_space<semaphore_mem>>
      %dma_start3A_105 = tpu.memref_slice %arg3[%add3A_82] : memref<106496xi32, #tpu.memory_space<hbm>> -> memref<256xi32, #tpu.memory_space<hbm>>
      %dma_start3A_106 = tpu.memref_slice %arg3[%add3A_82] : memref<106496xi32, #tpu.memory_space<hbm>> -> memref<256xi32, #tpu.memory_space<hbm>>
      tpu.enqueue_dma source(%dma_start3A_106 : memref<256xi32, #tpu.memory_space<hbm>>) target(%arg5 : memref<256xi32, #tpu.memory_space<vmem>>) target_semaphore(%run_scoped3A : memref<!tpu.dma_semaphore, #tpu.memory_space<semaphore_mem>>)
      %dma_wait3A_107 = tpu.memref_slice %arg3[%add3A_82] : memref<106496xi32, #tpu.memory_space<hbm>> -> memref<256xi32, #tpu.memory_space<hbm>>
      %dma_wait3A_108 = tpu.memref_slice %arg3[%add3A_82] : memref<106496xi32, #tpu.memory_space<hbm>> -> memref<256xi32, #tpu.memory_space<hbm>>
      tpu.wait_dma2 semaphore(%run_scoped3A : memref<!tpu.dma_semaphore, #tpu.memory_space<semaphore_mem>>) src(%dma_wait3A_108 : memref<256xi32, #tpu.memory_space<hbm>>) dst(%arg5 : memref<256xi32, #tpu.memory_space<vmem>>)
      tpu.yield
    }) : () -> ()
    %dma_start3A_83 = arith.constant 0 : i32
    %dma_start3A_84 = arith.constant 0 : i32
    %dma_start3A_85 = tpu.memref_slice %arg2[%dma_start3A_83, %dma_start3A_84] : memref<3328x128xf32, #tpu.memory_space<hbm>> -> memref<3328x128xf32, #tpu.memory_space<hbm>>
    tpu.enqueue_indirect_dma source(%dma_start3A_85 : memref<3328x128xf32, #tpu.memory_space<hbm>>) target(%arg6 : memref<256x128xf32, #tpu.memory_space<vmem>>) offsets(%arg5 : memref<256xi32, #tpu.memory_space<vmem>>) semaphore(%arg7 : memref<!tpu.dma_semaphore, #tpu.memory_space<semaphore_mem>>)
    %dma_wait3A_86 = arith.constant 0 : i32
    %dma_wait3A_87 = arith.constant 0 : i32
    %dma_wait3A_88 = tpu.memref_slice %arg2[%dma_wait3A_86, %dma_wait3A_87] : memref<3328x128xf32, #tpu.memory_space<hbm>> -> memref<3328x128xf32, #tpu.memory_space<hbm>>
    tpu.wait_indirect_dma semaphore(%arg7 : memref<!tpu.dma_semaphore, #tpu.memory_space<semaphore_mem>>) src(%dma_wait3A_88 : memref<3328x128xf32, #tpu.memory_space<hbm>>) dst(%arg6 : memref<256x128xf32, #tpu.memory_space<vmem>>)
    "tpu.region"() ({
      %run_scoped3A = tpu.sem_alloc : memref<!tpu.dma_semaphore, #tpu.memory_space<semaphore_mem>>
      %dma_start3A_105 = arith.constant 0 : i32
      %dma_start3A_106 = tpu.memref_slice %arg4[%add3A_82, %dma_start3A_105] : memref<106496x128xf32, #tpu.memory_space<hbm>> -> memref<256x128xf32, #tpu.memory_space<hbm>>
      %dma_start3A_107 = arith.constant 0 : i32
      %dma_start3A_108 = tpu.memref_slice %arg4[%add3A_82, %dma_start3A_107] : memref<106496x128xf32, #tpu.memory_space<hbm>> -> memref<256x128xf32, #tpu.memory_space<hbm>>
      tpu.enqueue_dma source(%arg6 : memref<256x128xf32, #tpu.memory_space<vmem>>) target(%dma_start3A_108 : memref<256x128xf32, #tpu.memory_space<hbm>>) target_semaphore(%run_scoped3A : memref<!tpu.dma_semaphore, #tpu.memory_space<semaphore_mem>>)
      %dma_wait3A_109 = arith.constant 0 : i32
      %dma_wait3A_110 = tpu.memref_slice %arg4[%add3A_82, %dma_wait3A_109] : memref<106496x128xf32, #tpu.memory_space<hbm>> -> memref<256x128xf32, #tpu.memory_space<hbm>>
      %dma_wait3A_111 = arith.constant 0 : i32
      %dma_wait3A_112 = tpu.memref_slice %arg4[%add3A_82, %dma_wait3A_111] : memref<106496x128xf32, #tpu.memory_space<hbm>> -> memref<256x128xf32, #tpu.memory_space<hbm>>
      tpu.wait_dma2 semaphore(%run_scoped3A : memref<!tpu.dma_semaphore, #tpu.memory_space<semaphore_mem>>) src(%arg6 : memref<256x128xf32, #tpu.memory_space<vmem>>) dst(%dma_wait3A_112 : memref<256x128xf32, #tpu.memory_space<hbm>>)
      tpu.yield
    }) : () -> ()
    %add3A_89 = arith.constant 2816 : i32
    %add3A_90 = arith.addi %mul3A_2, %add3A_89 : i32
    "tpu.region"() ({
      %run_scoped3A = tpu.sem_alloc : memref<!tpu.dma_semaphore, #tpu.memory_space<semaphore_mem>>
      %dma_start3A_105 = tpu.memref_slice %arg3[%add3A_90] : memref<106496xi32, #tpu.memory_space<hbm>> -> memref<256xi32, #tpu.memory_space<hbm>>
      %dma_start3A_106 = tpu.memref_slice %arg3[%add3A_90] : memref<106496xi32, #tpu.memory_space<hbm>> -> memref<256xi32, #tpu.memory_space<hbm>>
      tpu.enqueue_dma source(%dma_start3A_106 : memref<256xi32, #tpu.memory_space<hbm>>) target(%arg5 : memref<256xi32, #tpu.memory_space<vmem>>) target_semaphore(%run_scoped3A : memref<!tpu.dma_semaphore, #tpu.memory_space<semaphore_mem>>)
      %dma_wait3A_107 = tpu.memref_slice %arg3[%add3A_90] : memref<106496xi32, #tpu.memory_space<hbm>> -> memref<256xi32, #tpu.memory_space<hbm>>
      %dma_wait3A_108 = tpu.memref_slice %arg3[%add3A_90] : memref<106496xi32, #tpu.memory_space<hbm>> -> memref<256xi32, #tpu.memory_space<hbm>>
      tpu.wait_dma2 semaphore(%run_scoped3A : memref<!tpu.dma_semaphore, #tpu.memory_space<semaphore_mem>>) src(%dma_wait3A_108 : memref<256xi32, #tpu.memory_space<hbm>>) dst(%arg5 : memref<256xi32, #tpu.memory_space<vmem>>)
      tpu.yield
    }) : () -> ()
    %dma_start3A_91 = arith.constant 0 : i32
    %dma_start3A_92 = arith.constant 0 : i32
    %dma_start3A_93 = tpu.memref_slice %arg2[%dma_start3A_91, %dma_start3A_92] : memref<3328x128xf32, #tpu.memory_space<hbm>> -> memref<3328x128xf32, #tpu.memory_space<hbm>>
    tpu.enqueue_indirect_dma source(%dma_start3A_93 : memref<3328x128xf32, #tpu.memory_space<hbm>>) target(%arg6 : memref<256x128xf32, #tpu.memory_space<vmem>>) offsets(%arg5 : memref<256xi32, #tpu.memory_space<vmem>>) semaphore(%arg7 : memref<!tpu.dma_semaphore, #tpu.memory_space<semaphore_mem>>)
    %dma_wait3A_94 = arith.constant 0 : i32
    %dma_wait3A_95 = arith.constant 0 : i32
    %dma_wait3A_96 = tpu.memref_slice %arg2[%dma_wait3A_94, %dma_wait3A_95] : memref<3328x128xf32, #tpu.memory_space<hbm>> -> memref<3328x128xf32, #tpu.memory_space<hbm>>
    tpu.wait_indirect_dma semaphore(%arg7 : memref<!tpu.dma_semaphore, #tpu.memory_space<semaphore_mem>>) src(%dma_wait3A_96 : memref<3328x128xf32, #tpu.memory_space<hbm>>) dst(%arg6 : memref<256x128xf32, #tpu.memory_space<vmem>>)
    "tpu.region"() ({
      %run_scoped3A = tpu.sem_alloc : memref<!tpu.dma_semaphore, #tpu.memory_space<semaphore_mem>>
      %dma_start3A_105 = arith.constant 0 : i32
      %dma_start3A_106 = tpu.memref_slice %arg4[%add3A_90, %dma_start3A_105] : memref<106496x128xf32, #tpu.memory_space<hbm>> -> memref<256x128xf32, #tpu.memory_space<hbm>>
      %dma_start3A_107 = arith.constant 0 : i32
      %dma_start3A_108 = tpu.memref_slice %arg4[%add3A_90, %dma_start3A_107] : memref<106496x128xf32, #tpu.memory_space<hbm>> -> memref<256x128xf32, #tpu.memory_space<hbm>>
      tpu.enqueue_dma source(%arg6 : memref<256x128xf32, #tpu.memory_space<vmem>>) target(%dma_start3A_108 : memref<256x128xf32, #tpu.memory_space<hbm>>) target_semaphore(%run_scoped3A : memref<!tpu.dma_semaphore, #tpu.memory_space<semaphore_mem>>)
      %dma_wait3A_109 = arith.constant 0 : i32
      %dma_wait3A_110 = tpu.memref_slice %arg4[%add3A_90, %dma_wait3A_109] : memref<106496x128xf32, #tpu.memory_space<hbm>> -> memref<256x128xf32, #tpu.memory_space<hbm>>
      %dma_wait3A_111 = arith.constant 0 : i32
      %dma_wait3A_112 = tpu.memref_slice %arg4[%add3A_90, %dma_wait3A_111] : memref<106496x128xf32, #tpu.memory_space<hbm>> -> memref<256x128xf32, #tpu.memory_space<hbm>>
      tpu.wait_dma2 semaphore(%run_scoped3A : memref<!tpu.dma_semaphore, #tpu.memory_space<semaphore_mem>>) src(%arg6 : memref<256x128xf32, #tpu.memory_space<vmem>>) dst(%dma_wait3A_112 : memref<256x128xf32, #tpu.memory_space<hbm>>)
      tpu.yield
    }) : () -> ()
    %add3A_97 = arith.constant 3072 : i32
    %add3A_98 = arith.addi %mul3A_2, %add3A_97 : i32
    "tpu.region"() ({
      %run_scoped3A = tpu.sem_alloc : memref<!tpu.dma_semaphore, #tpu.memory_space<semaphore_mem>>
      %dma_start3A_105 = tpu.memref_slice %arg3[%add3A_98] : memref<106496xi32, #tpu.memory_space<hbm>> -> memref<256xi32, #tpu.memory_space<hbm>>
      %dma_start3A_106 = tpu.memref_slice %arg3[%add3A_98] : memref<106496xi32, #tpu.memory_space<hbm>> -> memref<256xi32, #tpu.memory_space<hbm>>
      tpu.enqueue_dma source(%dma_start3A_106 : memref<256xi32, #tpu.memory_space<hbm>>) target(%arg5 : memref<256xi32, #tpu.memory_space<vmem>>) target_semaphore(%run_scoped3A : memref<!tpu.dma_semaphore, #tpu.memory_space<semaphore_mem>>)
      %dma_wait3A_107 = tpu.memref_slice %arg3[%add3A_98] : memref<106496xi32, #tpu.memory_space<hbm>> -> memref<256xi32, #tpu.memory_space<hbm>>
      %dma_wait3A_108 = tpu.memref_slice %arg3[%add3A_98] : memref<106496xi32, #tpu.memory_space<hbm>> -> memref<256xi32, #tpu.memory_space<hbm>>
      tpu.wait_dma2 semaphore(%run_scoped3A : memref<!tpu.dma_semaphore, #tpu.memory_space<semaphore_mem>>) src(%dma_wait3A_108 : memref<256xi32, #tpu.memory_space<hbm>>) dst(%arg5 : memref<256xi32, #tpu.memory_space<vmem>>)
      tpu.yield
    }) : () -> ()
    %dma_start3A_99 = arith.constant 0 : i32
    %dma_start3A_100 = arith.constant 0 : i32
    %dma_start3A_101 = tpu.memref_slice %arg2[%dma_start3A_99, %dma_start3A_100] : memref<3328x128xf32, #tpu.memory_space<hbm>> -> memref<3328x128xf32, #tpu.memory_space<hbm>>
    tpu.enqueue_indirect_dma source(%dma_start3A_101 : memref<3328x128xf32, #tpu.memory_space<hbm>>) target(%arg6 : memref<256x128xf32, #tpu.memory_space<vmem>>) offsets(%arg5 : memref<256xi32, #tpu.memory_space<vmem>>) semaphore(%arg7 : memref<!tpu.dma_semaphore, #tpu.memory_space<semaphore_mem>>)
    %dma_wait3A_102 = arith.constant 0 : i32
    %dma_wait3A_103 = arith.constant 0 : i32
    %dma_wait3A_104 = tpu.memref_slice %arg2[%dma_wait3A_102, %dma_wait3A_103] : memref<3328x128xf32, #tpu.memory_space<hbm>> -> memref<3328x128xf32, #tpu.memory_space<hbm>>
    tpu.wait_indirect_dma semaphore(%arg7 : memref<!tpu.dma_semaphore, #tpu.memory_space<semaphore_mem>>) src(%dma_wait3A_104 : memref<3328x128xf32, #tpu.memory_space<hbm>>) dst(%arg6 : memref<256x128xf32, #tpu.memory_space<vmem>>)
    "tpu.region"() ({
      %run_scoped3A = tpu.sem_alloc : memref<!tpu.dma_semaphore, #tpu.memory_space<semaphore_mem>>
      %dma_start3A_105 = arith.constant 0 : i32
      %dma_start3A_106 = tpu.memref_slice %arg4[%add3A_98, %dma_start3A_105] : memref<106496x128xf32, #tpu.memory_space<hbm>> -> memref<256x128xf32, #tpu.memory_space<hbm>>
      %dma_start3A_107 = arith.constant 0 : i32
      %dma_start3A_108 = tpu.memref_slice %arg4[%add3A_98, %dma_start3A_107] : memref<106496x128xf32, #tpu.memory_space<hbm>> -> memref<256x128xf32, #tpu.memory_space<hbm>>
      tpu.enqueue_dma source(%arg6 : memref<256x128xf32, #tpu.memory_space<vmem>>) target(%dma_start3A_108 : memref<256x128xf32, #tpu.memory_space<hbm>>) target_semaphore(%run_scoped3A : memref<!tpu.dma_semaphore, #tpu.memory_space<semaphore_mem>>)
      %dma_wait3A_109 = arith.constant 0 : i32
      %dma_wait3A_110 = tpu.memref_slice %arg4[%add3A_98, %dma_wait3A_109] : memref<106496x128xf32, #tpu.memory_space<hbm>> -> memref<256x128xf32, #tpu.memory_space<hbm>>
      %dma_wait3A_111 = arith.constant 0 : i32
      %dma_wait3A_112 = tpu.memref_slice %arg4[%add3A_98, %dma_wait3A_111] : memref<106496x128xf32, #tpu.memory_space<hbm>> -> memref<256x128xf32, #tpu.memory_space<hbm>>
      tpu.wait_dma2 semaphore(%run_scoped3A : memref<!tpu.dma_semaphore, #tpu.memory_space<semaphore_mem>>) src(%arg6 : memref<256x128xf32, #tpu.memory_space<vmem>>) dst(%dma_wait3A_112 : memref<256x128xf32, #tpu.memory_space<hbm>>)
      tpu.yield
    }) : () -> ()
    return
  }
}

module attributes {stable_mosaic.version = 14 : i64} {
  func.func @_fused_kernel(%arg0: i32, %arg1: memref<512x1024xf32, #tpu.memory_space<vmem>>, %arg2: memref<512x26xi32, #tpu.memory_space<vmem>>, %arg3: memref<26x1088x64xf32, #tpu.memory_space<vmem>>, %arg4: memref<512x1664xf32, #tpu.memory_space<vmem>>, %arg5: memref<512x1664xf32, #tpu.memory_space<vmem>>, %arg6: memref<512x26xi32, #tpu.memory_space<vmem>>, %arg7: memref<1x1x1xf32, #tpu.memory_space<vmem>>, %arg8: memref<1024x1664xbf16, #tpu.memory_space<vmem>>, %arg9: memref<512x1664xf32, #tpu.memory_space<vmem>>, %arg10: memref<512x1664xf32, #tpu.memory_space<vmem>>) attributes {dimension_semantics = [#tpu.dimension_semantics<arbitrary>], iteration_bounds = array<i64: 8>, scalar_prefetch = 0 : i64, scratch_operands = 3 : i64, tpu.core_type = #tpu.core_type<tc>, window_params = [{transform_indices = @transform_0, window_bounds = array<i64: 512, 1024>}, {transform_indices = @transform_1, window_bounds = array<i64: 512, 26>}, {pipeline_mode = #tpu.pipeline_mode<synchronous>, transform_indices = @transform_2, window_bounds = array<i64: 26, 1088, 64>}, {transform_indices = @transform_3, window_bounds = array<i64: 512, 1664>}, {transform_indices = @transform_4, window_bounds = array<i64: 512, 1664>}, {transform_indices = @transform_5, window_bounds = array<i64: 512, 26>}, {transform_indices = @transform_6, window_bounds = array<i64: 1, 1, 1>}]} {
    %iota3A = tpu.iota {dimensions = array<i32: 1>} : vector<512x128xi32>
    %lt3A = arith.constant 64 : i32
    %lt3A_0 = vector.broadcast %lt3A : i32 to vector<512x128xi32>
    %lt3A_1 = arith.cmpi slt, %iota3A, %lt3A_0 : vector<512x128xi32>
    %and3A = arith.constant 63 : i32
    %and3A_2 = vector.broadcast %and3A : i32 to vector<512x128xi32>
    %and3A_3 = arith.andi %iota3A, %and3A_2 : vector<512x128xi32>
    %convert_element_type3A = arith.sitofp %and3A_3 : vector<512x128xi32> to vector<512x128xf32>
    %eq3A = arith.constant 0 : i32
    %eq3A_4 = arith.cmpi eq, %arg0, %eq3A : i32
    %convert_element_type3A_5 = arith.extui %eq3A_4 : i1 to i32
    %cond3A = arith.constant 0 : i32
    %cond3A_6 = arith.cmpi ne, %convert_element_type3A_5, %cond3A : i32
    scf.if %cond3A_6 {
      %get3A_520 = arith.constant 0 : index
      %get3A_521 = arith.constant 0 : index
      %get3A_522 = arith.constant 0 : index
      %get3A_523 = vector.load %arg3[%get3A_520, %get3A_521, %get3A_522] : memref<26x1088x64xf32, #tpu.memory_space<vmem>>, vector<1x1024x64xf32>
      %get3A_524 = vector.shape_cast %get3A_523 : vector<1x1024x64xf32> to vector<1024x64xf32>
      %convert_element_type3A_525 = arith.truncf %get3A_524 : vector<1024x64xf32> to vector<1024x64xbf16>
      %swap3A_526 = arith.constant 0 : index
      %swap3A_527 = arith.constant 0 : index
      %swap3A_528 = vector.load %arg8[%swap3A_526, %swap3A_527] : memref<1024x1664xbf16, #tpu.memory_space<vmem>>, vector<1024x64xbf16>
      tpu.vector_store %arg8[%swap3A_526, %swap3A_527], %convert_element_type3A_525 {strides = array<i32>} : memref<1024x1664xbf16, #tpu.memory_space<vmem>>, vector<1024x64xbf16>,
      %get3A_529 = arith.constant 1 : index
      %get3A_530 = arith.constant 0 : index
      %get3A_531 = arith.constant 0 : index
      %get3A_532 = vector.load %arg3[%get3A_529, %get3A_530, %get3A_531] : memref<26x1088x64xf32, #tpu.memory_space<vmem>>, vector<1x1024x64xf32>
      %get3A_533 = vector.shape_cast %get3A_532 : vector<1x1024x64xf32> to vector<1024x64xf32>
      %convert_element_type3A_534 = arith.truncf %get3A_533 : vector<1024x64xf32> to vector<1024x64xbf16>
      %swap3A_535 = arith.constant 0 : index
      %swap3A_536 = arith.constant 64 : index
      %swap3A_537 = vector.load %arg8[%swap3A_535, %swap3A_536] : memref<1024x1664xbf16, #tpu.memory_space<vmem>>, vector<1024x64xbf16>
      tpu.vector_store %arg8[%swap3A_535, %swap3A_536], %convert_element_type3A_534 {strides = array<i32>} : memref<1024x1664xbf16, #tpu.memory_space<vmem>>, vector<1024x64xbf16>,
      %get3A_538 = arith.constant 2 : index
      %get3A_539 = arith.constant 0 : index
      %get3A_540 = arith.constant 0 : index
      %get3A_541 = vector.load %arg3[%get3A_538, %get3A_539, %get3A_540] : memref<26x1088x64xf32, #tpu.memory_space<vmem>>, vector<1x1024x64xf32>
      %get3A_542 = vector.shape_cast %get3A_541 : vector<1x1024x64xf32> to vector<1024x64xf32>
      %convert_element_type3A_543 = arith.truncf %get3A_542 : vector<1024x64xf32> to vector<1024x64xbf16>
      %swap3A_544 = arith.constant 0 : index
      %swap3A_545 = arith.constant 128 : index
      %swap3A_546 = vector.load %arg8[%swap3A_544, %swap3A_545] : memref<1024x1664xbf16, #tpu.memory_space<vmem>>, vector<1024x64xbf16>
      tpu.vector_store %arg8[%swap3A_544, %swap3A_545], %convert_element_type3A_543 {strides = array<i32>} : memref<1024x1664xbf16, #tpu.memory_space<vmem>>, vector<1024x64xbf16>,
      %get3A_547 = arith.constant 3 : index
      %get3A_548 = arith.constant 0 : index
      %get3A_549 = arith.constant 0 : index
      %get3A_550 = vector.load %arg3[%get3A_547, %get3A_548, %get3A_549] : memref<26x1088x64xf32, #tpu.memory_space<vmem>>, vector<1x1024x64xf32>
      %get3A_551 = vector.shape_cast %get3A_550 : vector<1x1024x64xf32> to vector<1024x64xf32>
      %convert_element_type3A_552 = arith.truncf %get3A_551 : vector<1024x64xf32> to vector<1024x64xbf16>
      %swap3A_553 = arith.constant 0 : index
      %swap3A_554 = arith.constant 192 : index
      %swap3A_555 = vector.load %arg8[%swap3A_553, %swap3A_554] : memref<1024x1664xbf16, #tpu.memory_space<vmem>>, vector<1024x64xbf16>
      tpu.vector_store %arg8[%swap3A_553, %swap3A_554], %convert_element_type3A_552 {strides = array<i32>} : memref<1024x1664xbf16, #tpu.memory_space<vmem>>, vector<1024x64xbf16>,
      %get3A_556 = arith.constant 4 : index
      %get3A_557 = arith.constant 0 : index
      %get3A_558 = arith.constant 0 : index
      %get3A_559 = vector.load %arg3[%get3A_556, %get3A_557, %get3A_558] : memref<26x1088x64xf32, #tpu.memory_space<vmem>>, vector<1x1024x64xf32>
      %get3A_560 = vector.shape_cast %get3A_559 : vector<1x1024x64xf32> to vector<1024x64xf32>
      %convert_element_type3A_561 = arith.truncf %get3A_560 : vector<1024x64xf32> to vector<1024x64xbf16>
      %swap3A_562 = arith.constant 0 : index
      %swap3A_563 = arith.constant 256 : index
      %swap3A_564 = vector.load %arg8[%swap3A_562, %swap3A_563] : memref<1024x1664xbf16, #tpu.memory_space<vmem>>, vector<1024x64xbf16>
      tpu.vector_store %arg8[%swap3A_562, %swap3A_563], %convert_element_type3A_561 {strides = array<i32>} : memref<1024x1664xbf16, #tpu.memory_space<vmem>>, vector<1024x64xbf16>,
      %get3A_565 = arith.constant 5 : index
      %get3A_566 = arith.constant 0 : index
      %get3A_567 = arith.constant 0 : index
      %get3A_568 = vector.load %arg3[%get3A_565, %get3A_566, %get3A_567] : memref<26x1088x64xf32, #tpu.memory_space<vmem>>, vector<1x1024x64xf32>
      %get3A_569 = vector.shape_cast %get3A_568 : vector<1x1024x64xf32> to vector<1024x64xf32>
      %convert_element_type3A_570 = arith.truncf %get3A_569 : vector<1024x64xf32> to vector<1024x64xbf16>
      %swap3A_571 = arith.constant 0 : index
      %swap3A_572 = arith.constant 320 : index
      %swap3A_573 = vector.load %arg8[%swap3A_571, %swap3A_572] : memref<1024x1664xbf16, #tpu.memory_space<vmem>>, vector<1024x64xbf16>
      tpu.vector_store %arg8[%swap3A_571, %swap3A_572], %convert_element_type3A_570 {strides = array<i32>} : memref<1024x1664xbf16, #tpu.memory_space<vmem>>, vector<1024x64xbf16>,
      %get3A_574 = arith.constant 6 : index
      %get3A_575 = arith.constant 0 : index
      %get3A_576 = arith.constant 0 : index
      %get3A_577 = vector.load %arg3[%get3A_574, %get3A_575, %get3A_576] : memref<26x1088x64xf32, #tpu.memory_space<vmem>>, vector<1x1024x64xf32>
      %get3A_578 = vector.shape_cast %get3A_577 : vector<1x1024x64xf32> to vector<1024x64xf32>
      %convert_element_type3A_579 = arith.truncf %get3A_578 : vector<1024x64xf32> to vector<1024x64xbf16>
      %swap3A_580 = arith.constant 0 : index
      %swap3A_581 = arith.constant 384 : index
      %swap3A_582 = vector.load %arg8[%swap3A_580, %swap3A_581] : memref<1024x1664xbf16, #tpu.memory_space<vmem>>, vector<1024x64xbf16>
      tpu.vector_store %arg8[%swap3A_580, %swap3A_581], %convert_element_type3A_579 {strides = array<i32>} : memref<1024x1664xbf16, #tpu.memory_space<vmem>>, vector<1024x64xbf16>,
      %get3A_583 = arith.constant 7 : index
      %get3A_584 = arith.constant 0 : index
      %get3A_585 = arith.constant 0 : index
      %get3A_586 = vector.load %arg3[%get3A_583, %get3A_584, %get3A_585] : memref<26x1088x64xf32, #tpu.memory_space<vmem>>, vector<1x1024x64xf32>
      %get3A_587 = vector.shape_cast %get3A_586 : vector<1x1024x64xf32> to vector<1024x64xf32>
      %convert_element_type3A_588 = arith.truncf %get3A_587 : vector<1024x64xf32> to vector<1024x64xbf16>
      %swap3A_589 = arith.constant 0 : index
      %swap3A_590 = arith.constant 448 : index
      %swap3A_591 = vector.load %arg8[%swap3A_589, %swap3A_590] : memref<1024x1664xbf16, #tpu.memory_space<vmem>>, vector<1024x64xbf16>
      tpu.vector_store %arg8[%swap3A_589, %swap3A_590], %convert_element_type3A_588 {strides = array<i32>} : memref<1024x1664xbf16, #tpu.memory_space<vmem>>, vector<1024x64xbf16>,
      %get3A_592 = arith.constant 8 : index
      %get3A_593 = arith.constant 0 : index
      %get3A_594 = arith.constant 0 : index
      %get3A_595 = vector.load %arg3[%get3A_592, %get3A_593, %get3A_594] : memref<26x1088x64xf32, #tpu.memory_space<vmem>>, vector<1x1024x64xf32>
      %get3A_596 = vector.shape_cast %get3A_595 : vector<1x1024x64xf32> to vector<1024x64xf32>
      %convert_element_type3A_597 = arith.truncf %get3A_596 : vector<1024x64xf32> to vector<1024x64xbf16>
      %swap3A_598 = arith.constant 0 : index
      %swap3A_599 = arith.constant 512 : index
      %swap3A_600 = vector.load %arg8[%swap3A_598, %swap3A_599] : memref<1024x1664xbf16, #tpu.memory_space<vmem>>, vector<1024x64xbf16>
      tpu.vector_store %arg8[%swap3A_598, %swap3A_599], %convert_element_type3A_597 {strides = array<i32>} : memref<1024x1664xbf16, #tpu.memory_space<vmem>>, vector<1024x64xbf16>,
      %get3A_601 = arith.constant 9 : index
      %get3A_602 = arith.constant 0 : index
      %get3A_603 = arith.constant 0 : index
      %get3A_604 = vector.load %arg3[%get3A_601, %get3A_602, %get3A_603] : memref<26x1088x64xf32, #tpu.memory_space<vmem>>, vector<1x1024x64xf32>
      %get3A_605 = vector.shape_cast %get3A_604 : vector<1x1024x64xf32> to vector<1024x64xf32>
      %convert_element_type3A_606 = arith.truncf %get3A_605 : vector<1024x64xf32> to vector<1024x64xbf16>
      %swap3A_607 = arith.constant 0 : index
      %swap3A_608 = arith.constant 576 : index
      %swap3A_609 = vector.load %arg8[%swap3A_607, %swap3A_608] : memref<1024x1664xbf16, #tpu.memory_space<vmem>>, vector<1024x64xbf16>
      tpu.vector_store %arg8[%swap3A_607, %swap3A_608], %convert_element_type3A_606 {strides = array<i32>} : memref<1024x1664xbf16, #tpu.memory_space<vmem>>, vector<1024x64xbf16>,
      %get3A_610 = arith.constant 10 : index
      %get3A_611 = arith.constant 0 : index
      %get3A_612 = arith.constant 0 : index
      %get3A_613 = vector.load %arg3[%get3A_610, %get3A_611, %get3A_612] : memref<26x1088x64xf32, #tpu.memory_space<vmem>>, vector<1x1024x64xf32>
      %get3A_614 = vector.shape_cast %get3A_613 : vector<1x1024x64xf32> to vector<1024x64xf32>
      %convert_element_type3A_615 = arith.truncf %get3A_614 : vector<1024x64xf32> to vector<1024x64xbf16>
      %swap3A_616 = arith.constant 0 : index
      %swap3A_617 = arith.constant 640 : index
      %swap3A_618 = vector.load %arg8[%swap3A_616, %swap3A_617] : memref<1024x1664xbf16, #tpu.memory_space<vmem>>, vector<1024x64xbf16>
      tpu.vector_store %arg8[%swap3A_616, %swap3A_617], %convert_element_type3A_615 {strides = array<i32>} : memref<1024x1664xbf16, #tpu.memory_space<vmem>>, vector<1024x64xbf16>,
      %get3A_619 = arith.constant 11 : index
      %get3A_620 = arith.constant 0 : index
      %get3A_621 = arith.constant 0 : index
      %get3A_622 = vector.load %arg3[%get3A_619, %get3A_620, %get3A_621] : memref<26x1088x64xf32, #tpu.memory_space<vmem>>, vector<1x1024x64xf32>
      %get3A_623 = vector.shape_cast %get3A_622 : vector<1x1024x64xf32> to vector<1024x64xf32>
      %convert_element_type3A_624 = arith.truncf %get3A_623 : vector<1024x64xf32> to vector<1024x64xbf16>
      %swap3A_625 = arith.constant 0 : index
      %swap3A_626 = arith.constant 704 : index
      %swap3A_627 = vector.load %arg8[%swap3A_625, %swap3A_626] : memref<1024x1664xbf16, #tpu.memory_space<vmem>>, vector<1024x64xbf16>
      tpu.vector_store %arg8[%swap3A_625, %swap3A_626], %convert_element_type3A_624 {strides = array<i32>} : memref<1024x1664xbf16, #tpu.memory_space<vmem>>, vector<1024x64xbf16>,
      %get3A_628 = arith.constant 12 : index
      %get3A_629 = arith.constant 0 : index
      %get3A_630 = arith.constant 0 : index
      %get3A_631 = vector.load %arg3[%get3A_628, %get3A_629, %get3A_630] : memref<26x1088x64xf32, #tpu.memory_space<vmem>>, vector<1x1024x64xf32>
      %get3A_632 = vector.shape_cast %get3A_631 : vector<1x1024x64xf32> to vector<1024x64xf32>
      %convert_element_type3A_633 = arith.truncf %get3A_632 : vector<1024x64xf32> to vector<1024x64xbf16>
      %swap3A_634 = arith.constant 0 : index
      %swap3A_635 = arith.constant 768 : index
      %swap3A_636 = vector.load %arg8[%swap3A_634, %swap3A_635] : memref<1024x1664xbf16, #tpu.memory_space<vmem>>, vector<1024x64xbf16>
      tpu.vector_store %arg8[%swap3A_634, %swap3A_635], %convert_element_type3A_633 {strides = array<i32>} : memref<1024x1664xbf16, #tpu.memory_space<vmem>>, vector<1024x64xbf16>,
      %get3A_637 = arith.constant 13 : index
      %get3A_638 = arith.constant 0 : index
      %get3A_639 = arith.constant 0 : index
      %get3A_640 = vector.load %arg3[%get3A_637, %get3A_638, %get3A_639] : memref<26x1088x64xf32, #tpu.memory_space<vmem>>, vector<1x1024x64xf32>
      %get3A_641 = vector.shape_cast %get3A_640 : vector<1x1024x64xf32> to vector<1024x64xf32>
      %convert_element_type3A_642 = arith.truncf %get3A_641 : vector<1024x64xf32> to vector<1024x64xbf16>
      %swap3A_643 = arith.constant 0 : index
      %swap3A_644 = arith.constant 832 : index
      %swap3A_645 = vector.load %arg8[%swap3A_643, %swap3A_644] : memref<1024x1664xbf16, #tpu.memory_space<vmem>>, vector<1024x64xbf16>
      tpu.vector_store %arg8[%swap3A_643, %swap3A_644], %convert_element_type3A_642 {strides = array<i32>} : memref<1024x1664xbf16, #tpu.memory_space<vmem>>, vector<1024x64xbf16>,
      %get3A_646 = arith.constant 14 : index
      %get3A_647 = arith.constant 0 : index
      %get3A_648 = arith.constant 0 : index
      %get3A_649 = vector.load %arg3[%get3A_646, %get3A_647, %get3A_648] : memref<26x1088x64xf32, #tpu.memory_space<vmem>>, vector<1x1024x64xf32>
      %get3A_650 = vector.shape_cast %get3A_649 : vector<1x1024x64xf32> to vector<1024x64xf32>
      %convert_element_type3A_651 = arith.truncf %get3A_650 : vector<1024x64xf32> to vector<1024x64xbf16>
      %swap3A_652 = arith.constant 0 : index
      %swap3A_653 = arith.constant 896 : index
      %swap3A_654 = vector.load %arg8[%swap3A_652, %swap3A_653] : memref<1024x1664xbf16, #tpu.memory_space<vmem>>, vector<1024x64xbf16>
      tpu.vector_store %arg8[%swap3A_652, %swap3A_653], %convert_element_type3A_651 {strides = array<i32>} : memref<1024x1664xbf16, #tpu.memory_space<vmem>>, vector<1024x64xbf16>,
      %get3A_655 = arith.constant 15 : index
      %get3A_656 = arith.constant 0 : index
      %get3A_657 = arith.constant 0 : index
      %get3A_658 = vector.load %arg3[%get3A_655, %get3A_656, %get3A_657] : memref<26x1088x64xf32, #tpu.memory_space<vmem>>, vector<1x1024x64xf32>
      %get3A_659 = vector.shape_cast %get3A_658 : vector<1x1024x64xf32> to vector<1024x64xf32>
      %convert_element_type3A_660 = arith.truncf %get3A_659 : vector<1024x64xf32> to vector<1024x64xbf16>
      %swap3A_661 = arith.constant 0 : index
      %swap3A_662 = arith.constant 960 : index
      %swap3A_663 = vector.load %arg8[%swap3A_661, %swap3A_662] : memref<1024x1664xbf16, #tpu.memory_space<vmem>>, vector<1024x64xbf16>
      tpu.vector_store %arg8[%swap3A_661, %swap3A_662], %convert_element_type3A_660 {strides = array<i32>} : memref<1024x1664xbf16, #tpu.memory_space<vmem>>, vector<1024x64xbf16>,
      %get3A_664 = arith.constant 16 : index
      %get3A_665 = arith.constant 0 : index
      %get3A_666 = arith.constant 0 : index
      %get3A_667 = vector.load %arg3[%get3A_664, %get3A_665, %get3A_666] : memref<26x1088x64xf32, #tpu.memory_space<vmem>>, vector<1x1024x64xf32>
      %get3A_668 = vector.shape_cast %get3A_667 : vector<1x1024x64xf32> to vector<1024x64xf32>
      %convert_element_type3A_669 = arith.truncf %get3A_668 : vector<1024x64xf32> to vector<1024x64xbf16>
      %swap3A_670 = arith.constant 0 : index
      %swap3A_671 = arith.constant 1024 : index
      %swap3A_672 = vector.load %arg8[%swap3A_670, %swap3A_671] : memref<1024x1664xbf16, #tpu.memory_space<vmem>>, vector<1024x64xbf16>
      tpu.vector_store %arg8[%swap3A_670, %swap3A_671], %convert_element_type3A_669 {strides = array<i32>} : memref<1024x1664xbf16, #tpu.memory_space<vmem>>, vector<1024x64xbf16>,
      %get3A_673 = arith.constant 17 : index
      %get3A_674 = arith.constant 0 : index
      %get3A_675 = arith.constant 0 : index
      %get3A_676 = vector.load %arg3[%get3A_673, %get3A_674, %get3A_675] : memref<26x1088x64xf32, #tpu.memory_space<vmem>>, vector<1x1024x64xf32>
      %get3A_677 = vector.shape_cast %get3A_676 : vector<1x1024x64xf32> to vector<1024x64xf32>
      %convert_element_type3A_678 = arith.truncf %get3A_677 : vector<1024x64xf32> to vector<1024x64xbf16>
      %swap3A_679 = arith.constant 0 : index
      %swap3A_680 = arith.constant 1088 : index
      %swap3A_681 = vector.load %arg8[%swap3A_679, %swap3A_680] : memref<1024x1664xbf16, #tpu.memory_space<vmem>>, vector<1024x64xbf16>
      tpu.vector_store %arg8[%swap3A_679, %swap3A_680], %convert_element_type3A_678 {strides = array<i32>} : memref<1024x1664xbf16, #tpu.memory_space<vmem>>, vector<1024x64xbf16>,
      %get3A_682 = arith.constant 18 : index
      %get3A_683 = arith.constant 0 : index
      %get3A_684 = arith.constant 0 : index
      %get3A_685 = vector.load %arg3[%get3A_682, %get3A_683, %get3A_684] : memref<26x1088x64xf32, #tpu.memory_space<vmem>>, vector<1x1024x64xf32>
      %get3A_686 = vector.shape_cast %get3A_685 : vector<1x1024x64xf32> to vector<1024x64xf32>
      %convert_element_type3A_687 = arith.truncf %get3A_686 : vector<1024x64xf32> to vector<1024x64xbf16>
      %swap3A_688 = arith.constant 0 : index
      %swap3A_689 = arith.constant 1152 : index
      %swap3A_690 = vector.load %arg8[%swap3A_688, %swap3A_689] : memref<1024x1664xbf16, #tpu.memory_space<vmem>>, vector<1024x64xbf16>
      tpu.vector_store %arg8[%swap3A_688, %swap3A_689], %convert_element_type3A_687 {strides = array<i32>} : memref<1024x1664xbf16, #tpu.memory_space<vmem>>, vector<1024x64xbf16>,
      %get3A_691 = arith.constant 19 : index
      %get3A_692 = arith.constant 0 : index
      %get3A_693 = arith.constant 0 : index
      %get3A_694 = vector.load %arg3[%get3A_691, %get3A_692, %get3A_693] : memref<26x1088x64xf32, #tpu.memory_space<vmem>>, vector<1x1024x64xf32>
      %get3A_695 = vector.shape_cast %get3A_694 : vector<1x1024x64xf32> to vector<1024x64xf32>
      %convert_element_type3A_696 = arith.truncf %get3A_695 : vector<1024x64xf32> to vector<1024x64xbf16>
      %swap3A_697 = arith.constant 0 : index
      %swap3A_698 = arith.constant 1216 : index
      %swap3A_699 = vector.load %arg8[%swap3A_697, %swap3A_698] : memref<1024x1664xbf16, #tpu.memory_space<vmem>>, vector<1024x64xbf16>
      tpu.vector_store %arg8[%swap3A_697, %swap3A_698], %convert_element_type3A_696 {strides = array<i32>} : memref<1024x1664xbf16, #tpu.memory_space<vmem>>, vector<1024x64xbf16>,
      %get3A_700 = arith.constant 20 : index
      %get3A_701 = arith.constant 0 : index
      %get3A_702 = arith.constant 0 : index
      %get3A_703 = vector.load %arg3[%get3A_700, %get3A_701, %get3A_702] : memref<26x1088x64xf32, #tpu.memory_space<vmem>>, vector<1x1024x64xf32>
      %get3A_704 = vector.shape_cast %get3A_703 : vector<1x1024x64xf32> to vector<1024x64xf32>
      %convert_element_type3A_705 = arith.truncf %get3A_704 : vector<1024x64xf32> to vector<1024x64xbf16>
      %swap3A_706 = arith.constant 0 : index
      %swap3A_707 = arith.constant 1280 : index
      %swap3A_708 = vector.load %arg8[%swap3A_706, %swap3A_707] : memref<1024x1664xbf16, #tpu.memory_space<vmem>>, vector<1024x64xbf16>
      tpu.vector_store %arg8[%swap3A_706, %swap3A_707], %convert_element_type3A_705 {strides = array<i32>} : memref<1024x1664xbf16, #tpu.memory_space<vmem>>, vector<1024x64xbf16>,
      %get3A_709 = arith.constant 21 : index
      %get3A_710 = arith.constant 0 : index
      %get3A_711 = arith.constant 0 : index
      %get3A_712 = vector.load %arg3[%get3A_709, %get3A_710, %get3A_711] : memref<26x1088x64xf32, #tpu.memory_space<vmem>>, vector<1x1024x64xf32>
      %get3A_713 = vector.shape_cast %get3A_712 : vector<1x1024x64xf32> to vector<1024x64xf32>
      %convert_element_type3A_714 = arith.truncf %get3A_713 : vector<1024x64xf32> to vector<1024x64xbf16>
      %swap3A_715 = arith.constant 0 : index
      %swap3A_716 = arith.constant 1344 : index
      %swap3A_717 = vector.load %arg8[%swap3A_715, %swap3A_716] : memref<1024x1664xbf16, #tpu.memory_space<vmem>>, vector<1024x64xbf16>
      tpu.vector_store %arg8[%swap3A_715, %swap3A_716], %convert_element_type3A_714 {strides = array<i32>} : memref<1024x1664xbf16, #tpu.memory_space<vmem>>, vector<1024x64xbf16>,
      %get3A_718 = arith.constant 22 : index
      %get3A_719 = arith.constant 0 : index
      %get3A_720 = arith.constant 0 : index
      %get3A_721 = vector.load %arg3[%get3A_718, %get3A_719, %get3A_720] : memref<26x1088x64xf32, #tpu.memory_space<vmem>>, vector<1x1024x64xf32>
      %get3A_722 = vector.shape_cast %get3A_721 : vector<1x1024x64xf32> to vector<1024x64xf32>
      %convert_element_type3A_723 = arith.truncf %get3A_722 : vector<1024x64xf32> to vector<1024x64xbf16>
      %swap3A_724 = arith.constant 0 : index
      %swap3A_725 = arith.constant 1408 : index
      %swap3A_726 = vector.load %arg8[%swap3A_724, %swap3A_725] : memref<1024x1664xbf16, #tpu.memory_space<vmem>>, vector<1024x64xbf16>
      tpu.vector_store %arg8[%swap3A_724, %swap3A_725], %convert_element_type3A_723 {strides = array<i32>} : memref<1024x1664xbf16, #tpu.memory_space<vmem>>, vector<1024x64xbf16>,
      %get3A_727 = arith.constant 23 : index
      %get3A_728 = arith.constant 0 : index
      %get3A_729 = arith.constant 0 : index
      %get3A_730 = vector.load %arg3[%get3A_727, %get3A_728, %get3A_729] : memref<26x1088x64xf32, #tpu.memory_space<vmem>>, vector<1x1024x64xf32>
      %get3A_731 = vector.shape_cast %get3A_730 : vector<1x1024x64xf32> to vector<1024x64xf32>
      %convert_element_type3A_732 = arith.truncf %get3A_731 : vector<1024x64xf32> to vector<1024x64xbf16>
      %swap3A_733 = arith.constant 0 : index
      %swap3A_734 = arith.constant 1472 : index
      %swap3A_735 = vector.load %arg8[%swap3A_733, %swap3A_734] : memref<1024x1664xbf16, #tpu.memory_space<vmem>>, vector<1024x64xbf16>
      tpu.vector_store %arg8[%swap3A_733, %swap3A_734], %convert_element_type3A_732 {strides = array<i32>} : memref<1024x1664xbf16, #tpu.memory_space<vmem>>, vector<1024x64xbf16>,
      %get3A_736 = arith.constant 24 : index
      %get3A_737 = arith.constant 0 : index
      %get3A_738 = arith.constant 0 : index
      %get3A_739 = vector.load %arg3[%get3A_736, %get3A_737, %get3A_738] : memref<26x1088x64xf32, #tpu.memory_space<vmem>>, vector<1x1024x64xf32>
      %get3A_740 = vector.shape_cast %get3A_739 : vector<1x1024x64xf32> to vector<1024x64xf32>
      %convert_element_type3A_741 = arith.truncf %get3A_740 : vector<1024x64xf32> to vector<1024x64xbf16>
      %swap3A_742 = arith.constant 0 : index
      %swap3A_743 = arith.constant 1536 : index
      %swap3A_744 = vector.load %arg8[%swap3A_742, %swap3A_743] : memref<1024x1664xbf16, #tpu.memory_space<vmem>>, vector<1024x64xbf16>
      tpu.vector_store %arg8[%swap3A_742, %swap3A_743], %convert_element_type3A_741 {strides = array<i32>} : memref<1024x1664xbf16, #tpu.memory_space<vmem>>, vector<1024x64xbf16>,
      %get3A_745 = arith.constant 25 : index
      %get3A_746 = arith.constant 0 : index
      %get3A_747 = arith.constant 0 : index
      %get3A_748 = vector.load %arg3[%get3A_745, %get3A_746, %get3A_747] : memref<26x1088x64xf32, #tpu.memory_space<vmem>>, vector<1x1024x64xf32>
      %get3A_749 = vector.shape_cast %get3A_748 : vector<1x1024x64xf32> to vector<1024x64xf32>
      %convert_element_type3A_750 = arith.truncf %get3A_749 : vector<1024x64xf32> to vector<1024x64xbf16>
      %swap3A_751 = arith.constant 0 : index
      %swap3A_752 = arith.constant 1600 : index
      %swap3A_753 = vector.load %arg8[%swap3A_751, %swap3A_752] : memref<1024x1664xbf16, #tpu.memory_space<vmem>>, vector<1024x64xbf16>
      tpu.vector_store %arg8[%swap3A_751, %swap3A_752], %convert_element_type3A_750 {strides = array<i32>} : memref<1024x1664xbf16, #tpu.memory_space<vmem>>, vector<1024x64xbf16>,
    } else {
    }
    %get3A = arith.constant 0 : index
    %get3A_7 = arith.constant 0 : index
    %get3A_8 = vector.load %arg1[%get3A, %get3A_7] : memref<512x1024xf32, #tpu.memory_space<vmem>>, vector<512x1024xf32>
    %convert_element_type3A_9 = arith.truncf %get3A_8 : vector<512x1024xf32> to vector<512x1024xbf16>
    %get3A_10 = arith.constant 0 : index
    %get3A_11 = arith.constant 0 : index
    %get3A_12 = vector.load %arg8[%get3A_10, %get3A_11] : memref<1024x1664xbf16, #tpu.memory_space<vmem>>, vector<1024x1664xbf16>
    %dot_general3A = arith.constant dense<0.000000e+00> : vector<512x1664xf32>
    %dot_general3A_13 = tpu.matmul %convert_element_type3A_9, %get3A_12, %dot_general3A {dimension_numbers = #tpu.dot_dimension_numbers<[1], [0], [0], [1], [0, 0, 1, 1], [], []>, transpose_lhs_hint = false} : vector<512x1024xbf16>, vector<1024x1664xbf16>, vector<512x1664xf32> -> vector<512x1664xf32>
    %get3A_14 = arith.constant 0 : index
    %get3A_15 = arith.constant 0 : index
    %get3A_16 = vector.load %arg4[%get3A_14, %get3A_15] : memref<512x1664xf32, #tpu.memory_space<vmem>>, vector<512x1664xf32>
    %add3A = arith.addf %dot_general3A_13, %get3A_16 : vector<512x1664xf32>
    %get3A_17 = arith.constant 0 : index
    %get3A_18 = arith.constant 0 : index
    %get3A_19 = vector.load %arg5[%get3A_17, %get3A_18] : memref<512x1664xf32, #tpu.memory_space<vmem>>, vector<512x1664xf32>
    %add3A_20 = arith.addf %add3A, %get3A_19 : vector<512x1664xf32>
    %swap3A = arith.constant 0 : index
    %swap3A_21 = arith.constant 0 : index
    %swap3A_22 = vector.load %arg9[%swap3A, %swap3A_21] : memref<512x1664xf32, #tpu.memory_space<vmem>>, vector<512x1664xf32>
    tpu.vector_store %arg9[%swap3A, %swap3A_21], %add3A_20 {strides = array<i32>} : memref<512x1664xf32, #tpu.memory_space<vmem>>, vector<512x1664xf32>,
    %get3A_23 = arith.constant 0 : index
    %get3A_24 = arith.constant 0 : index
    %get3A_25 = vector.load %arg9[%get3A_23, %get3A_24] : memref<512x1664xf32, #tpu.memory_space<vmem>>, vector<512x128xf32>
    %jit3A = arith.constant 0xFF800000 : f32
    %broadcast_in_dim3A = vector.broadcast %jit3A : f32 to vector<512x128xf32>
    %select_n3A = arith.select %lt3A_1, %get3A_25, %broadcast_in_dim3A : vector<512x128xi1>, vector<512x128xf32>
    %reduce_max3A = arith.constant dense<0xFF800000> : vector<512xf32>
    %reduce_max3A_26 = vector.multi_reduction <maximumf>, %select_n3A, %reduce_max3A [1] : vector<512x128xf32> to vector<512xf32>
    %broadcast_in_dim3A_27 = vector.shape_cast %reduce_max3A_26 : vector<512xf32> to vector<512x1xf32>
    %jit3A_28 = arith.constant 0xFF800000 : f32
    %broadcast_in_dim3A_29 = vector.broadcast %jit3A_28 : f32 to vector<512x128xf32>
    %select_n3A_30 = arith.select %lt3A_1, %broadcast_in_dim3A_29, %get3A_25 : vector<512x128xi1>, vector<512x128xf32>
    %reduce_max3A_31 = arith.constant dense<0xFF800000> : vector<512xf32>
    %reduce_max3A_32 = vector.multi_reduction <maximumf>, %select_n3A_30, %reduce_max3A_31 [1] : vector<512x128xf32> to vector<512xf32>
    %broadcast_in_dim3A_33 = vector.shape_cast %reduce_max3A_32 : vector<512xf32> to vector<512x1xf32>
    %broadcast_in_dim3A_34 = vector.shape_cast %broadcast_in_dim3A_27 : vector<512x1xf32> to vector<512x1xf32>
    %broadcast_in_dim3A_35 = vector.broadcast %broadcast_in_dim3A_34 : vector<512x1xf32> to vector<512x128xf32>
    %broadcast_in_dim3A_36 = vector.shape_cast %broadcast_in_dim3A_33 : vector<512x1xf32> to vector<512x1xf32>
    %broadcast_in_dim3A_37 = vector.broadcast %broadcast_in_dim3A_36 : vector<512x1xf32> to vector<512x128xf32>
    %select_n3A_38 = arith.select %lt3A_1, %broadcast_in_dim3A_35, %broadcast_in_dim3A_37 : vector<512x128xi1>, vector<512x128xf32>
    %eq3A_39 = arith.cmpf oeq, %get3A_25, %select_n3A_38 : vector<512x128xf32>
    %convert_element_type3A_40 = arith.extui %eq3A_39 : vector<512x128xi1> to vector<512x128xi32>
    %convert_element_type3A_41 = arith.sitofp %convert_element_type3A_40 : vector<512x128xi32> to vector<512x128xf32>
    %swap3A_42 = arith.constant 0 : index
    %swap3A_43 = arith.constant 0 : index
    %swap3A_44 = vector.load %arg9[%swap3A_42, %swap3A_43] : memref<512x1664xf32, #tpu.memory_space<vmem>>, vector<512x128xf32>
    tpu.vector_store %arg9[%swap3A_42, %swap3A_43], %get3A_25 {strides = array<i32>} : memref<512x1664xf32, #tpu.memory_space<vmem>>, vector<512x128xf32>,
    %mul3A = arith.mulf %convert_element_type3A_41, %convert_element_type3A : vector<512x128xf32>
    %swap3A_45 = arith.constant 0 : index
    %swap3A_46 = arith.constant 0 : index
    %swap3A_47 = vector.load %arg10[%swap3A_45, %swap3A_46] : memref<512x1664xf32, #tpu.memory_space<vmem>>, vector<512x128xf32>
    tpu.vector_store %arg10[%swap3A_45, %swap3A_46], %mul3A {strides = array<i32>} : memref<512x1664xf32, #tpu.memory_space<vmem>>, vector<512x128xf32>,
    %get3A_48 = arith.constant 0 : index
    %get3A_49 = arith.constant 128 : index
    %get3A_50 = vector.load %arg9[%get3A_48, %get3A_49] : memref<512x1664xf32, #tpu.memory_space<vmem>>, vector<512x128xf32>
    %jit3A_51 = arith.constant 0xFF800000 : f32
    %broadcast_in_dim3A_52 = vector.broadcast %jit3A_51 : f32 to vector<512x128xf32>
    %select_n3A_53 = arith.select %lt3A_1, %get3A_50, %broadcast_in_dim3A_52 : vector<512x128xi1>, vector<512x128xf32>
    %reduce_max3A_54 = arith.constant dense<0xFF800000> : vector<512xf32>
    %reduce_max3A_55 = vector.multi_reduction <maximumf>, %select_n3A_53, %reduce_max3A_54 [1] : vector<512x128xf32> to vector<512xf32>
    %broadcast_in_dim3A_56 = vector.shape_cast %reduce_max3A_55 : vector<512xf32> to vector<512x1xf32>
    %jit3A_57 = arith.constant 0xFF800000 : f32
    %broadcast_in_dim3A_58 = vector.broadcast %jit3A_57 : f32 to vector<512x128xf32>
    %select_n3A_59 = arith.select %lt3A_1, %broadcast_in_dim3A_58, %get3A_50 : vector<512x128xi1>, vector<512x128xf32>
    %reduce_max3A_60 = arith.constant dense<0xFF800000> : vector<512xf32>
    %reduce_max3A_61 = vector.multi_reduction <maximumf>, %select_n3A_59, %reduce_max3A_60 [1] : vector<512x128xf32> to vector<512xf32>
    %broadcast_in_dim3A_62 = vector.shape_cast %reduce_max3A_61 : vector<512xf32> to vector<512x1xf32>
    %broadcast_in_dim3A_63 = vector.shape_cast %broadcast_in_dim3A_56 : vector<512x1xf32> to vector<512x1xf32>
    %broadcast_in_dim3A_64 = vector.broadcast %broadcast_in_dim3A_63 : vector<512x1xf32> to vector<512x128xf32>
    %broadcast_in_dim3A_65 = vector.shape_cast %broadcast_in_dim3A_62 : vector<512x1xf32> to vector<512x1xf32>
    %broadcast_in_dim3A_66 = vector.broadcast %broadcast_in_dim3A_65 : vector<512x1xf32> to vector<512x128xf32>
    %select_n3A_67 = arith.select %lt3A_1, %broadcast_in_dim3A_64, %broadcast_in_dim3A_66 : vector<512x128xi1>, vector<512x128xf32>
    %eq3A_68 = arith.cmpf oeq, %get3A_50, %select_n3A_67 : vector<512x128xf32>
    %convert_element_type3A_69 = arith.extui %eq3A_68 : vector<512x128xi1> to vector<512x128xi32>
    %convert_element_type3A_70 = arith.sitofp %convert_element_type3A_69 : vector<512x128xi32> to vector<512x128xf32>
    %swap3A_71 = arith.constant 0 : index
    %swap3A_72 = arith.constant 128 : index
    %swap3A_73 = vector.load %arg9[%swap3A_71, %swap3A_72] : memref<512x1664xf32, #tpu.memory_space<vmem>>, vector<512x128xf32>
    tpu.vector_store %arg9[%swap3A_71, %swap3A_72], %get3A_50 {strides = array<i32>} : memref<512x1664xf32, #tpu.memory_space<vmem>>, vector<512x128xf32>,
    %mul3A_74 = arith.mulf %convert_element_type3A_70, %convert_element_type3A : vector<512x128xf32>
    %swap3A_75 = arith.constant 0 : index
    %swap3A_76 = arith.constant 128 : index
    %swap3A_77 = vector.load %arg10[%swap3A_75, %swap3A_76] : memref<512x1664xf32, #tpu.memory_space<vmem>>, vector<512x128xf32>
    tpu.vector_store %arg10[%swap3A_75, %swap3A_76], %mul3A_74 {strides = array<i32>} : memref<512x1664xf32, #tpu.memory_space<vmem>>, vector<512x128xf32>,
    %get3A_78 = arith.constant 0 : index
    %get3A_79 = arith.constant 256 : index
    %get3A_80 = vector.load %arg9[%get3A_78, %get3A_79] : memref<512x1664xf32, #tpu.memory_space<vmem>>, vector<512x128xf32>
    %jit3A_81 = arith.constant 0xFF800000 : f32
    %broadcast_in_dim3A_82 = vector.broadcast %jit3A_81 : f32 to vector<512x128xf32>
    %select_n3A_83 = arith.select %lt3A_1, %get3A_80, %broadcast_in_dim3A_82 : vector<512x128xi1>, vector<512x128xf32>
    %reduce_max3A_84 = arith.constant dense<0xFF800000> : vector<512xf32>
    %reduce_max3A_85 = vector.multi_reduction <maximumf>, %select_n3A_83, %reduce_max3A_84 [1] : vector<512x128xf32> to vector<512xf32>
    %broadcast_in_dim3A_86 = vector.shape_cast %reduce_max3A_85 : vector<512xf32> to vector<512x1xf32>
    %jit3A_87 = arith.constant 0xFF800000 : f32
    %broadcast_in_dim3A_88 = vector.broadcast %jit3A_87 : f32 to vector<512x128xf32>
    %select_n3A_89 = arith.select %lt3A_1, %broadcast_in_dim3A_88, %get3A_80 : vector<512x128xi1>, vector<512x128xf32>
    %reduce_max3A_90 = arith.constant dense<0xFF800000> : vector<512xf32>
    %reduce_max3A_91 = vector.multi_reduction <maximumf>, %select_n3A_89, %reduce_max3A_90 [1] : vector<512x128xf32> to vector<512xf32>
    %broadcast_in_dim3A_92 = vector.shape_cast %reduce_max3A_91 : vector<512xf32> to vector<512x1xf32>
    %broadcast_in_dim3A_93 = vector.shape_cast %broadcast_in_dim3A_86 : vector<512x1xf32> to vector<512x1xf32>
    %broadcast_in_dim3A_94 = vector.broadcast %broadcast_in_dim3A_93 : vector<512x1xf32> to vector<512x128xf32>
    %broadcast_in_dim3A_95 = vector.shape_cast %broadcast_in_dim3A_92 : vector<512x1xf32> to vector<512x1xf32>
    %broadcast_in_dim3A_96 = vector.broadcast %broadcast_in_dim3A_95 : vector<512x1xf32> to vector<512x128xf32>
    %select_n3A_97 = arith.select %lt3A_1, %broadcast_in_dim3A_94, %broadcast_in_dim3A_96 : vector<512x128xi1>, vector<512x128xf32>
    %eq3A_98 = arith.cmpf oeq, %get3A_80, %select_n3A_97 : vector<512x128xf32>
    %convert_element_type3A_99 = arith.extui %eq3A_98 : vector<512x128xi1> to vector<512x128xi32>
    %convert_element_type3A_100 = arith.sitofp %convert_element_type3A_99 : vector<512x128xi32> to vector<512x128xf32>
    %swap3A_101 = arith.constant 0 : index
    %swap3A_102 = arith.constant 256 : index
    %swap3A_103 = vector.load %arg9[%swap3A_101, %swap3A_102] : memref<512x1664xf32, #tpu.memory_space<vmem>>, vector<512x128xf32>
    tpu.vector_store %arg9[%swap3A_101, %swap3A_102], %get3A_80 {strides = array<i32>} : memref<512x1664xf32, #tpu.memory_space<vmem>>, vector<512x128xf32>,
    %mul3A_104 = arith.mulf %convert_element_type3A_100, %convert_element_type3A : vector<512x128xf32>
    %swap3A_105 = arith.constant 0 : index
    %swap3A_106 = arith.constant 256 : index
    %swap3A_107 = vector.load %arg10[%swap3A_105, %swap3A_106] : memref<512x1664xf32, #tpu.memory_space<vmem>>, vector<512x128xf32>
    tpu.vector_store %arg10[%swap3A_105, %swap3A_106], %mul3A_104 {strides = array<i32>} : memref<512x1664xf32, #tpu.memory_space<vmem>>, vector<512x128xf32>,
    %get3A_108 = arith.constant 0 : index
    %get3A_109 = arith.constant 384 : index
    %get3A_110 = vector.load %arg9[%get3A_108, %get3A_109] : memref<512x1664xf32, #tpu.memory_space<vmem>>, vector<512x128xf32>
    %jit3A_111 = arith.constant 0xFF800000 : f32
    %broadcast_in_dim3A_112 = vector.broadcast %jit3A_111 : f32 to vector<512x128xf32>
    %select_n3A_113 = arith.select %lt3A_1, %get3A_110, %broadcast_in_dim3A_112 : vector<512x128xi1>, vector<512x128xf32>
    %reduce_max3A_114 = arith.constant dense<0xFF800000> : vector<512xf32>
    %reduce_max3A_115 = vector.multi_reduction <maximumf>, %select_n3A_113, %reduce_max3A_114 [1] : vector<512x128xf32> to vector<512xf32>
    %broadcast_in_dim3A_116 = vector.shape_cast %reduce_max3A_115 : vector<512xf32> to vector<512x1xf32>
    %jit3A_117 = arith.constant 0xFF800000 : f32
    %broadcast_in_dim3A_118 = vector.broadcast %jit3A_117 : f32 to vector<512x128xf32>
    %select_n3A_119 = arith.select %lt3A_1, %broadcast_in_dim3A_118, %get3A_110 : vector<512x128xi1>, vector<512x128xf32>
    %reduce_max3A_120 = arith.constant dense<0xFF800000> : vector<512xf32>
    %reduce_max3A_121 = vector.multi_reduction <maximumf>, %select_n3A_119, %reduce_max3A_120 [1] : vector<512x128xf32> to vector<512xf32>
    %broadcast_in_dim3A_122 = vector.shape_cast %reduce_max3A_121 : vector<512xf32> to vector<512x1xf32>
    %broadcast_in_dim3A_123 = vector.shape_cast %broadcast_in_dim3A_116 : vector<512x1xf32> to vector<512x1xf32>
    %broadcast_in_dim3A_124 = vector.broadcast %broadcast_in_dim3A_123 : vector<512x1xf32> to vector<512x128xf32>
    %broadcast_in_dim3A_125 = vector.shape_cast %broadcast_in_dim3A_122 : vector<512x1xf32> to vector<512x1xf32>
    %broadcast_in_dim3A_126 = vector.broadcast %broadcast_in_dim3A_125 : vector<512x1xf32> to vector<512x128xf32>
    %select_n3A_127 = arith.select %lt3A_1, %broadcast_in_dim3A_124, %broadcast_in_dim3A_126 : vector<512x128xi1>, vector<512x128xf32>
    %eq3A_128 = arith.cmpf oeq, %get3A_110, %select_n3A_127 : vector<512x128xf32>
    %convert_element_type3A_129 = arith.extui %eq3A_128 : vector<512x128xi1> to vector<512x128xi32>
    %convert_element_type3A_130 = arith.sitofp %convert_element_type3A_129 : vector<512x128xi32> to vector<512x128xf32>
    %swap3A_131 = arith.constant 0 : index
    %swap3A_132 = arith.constant 384 : index
    %swap3A_133 = vector.load %arg9[%swap3A_131, %swap3A_132] : memref<512x1664xf32, #tpu.memory_space<vmem>>, vector<512x128xf32>
    tpu.vector_store %arg9[%swap3A_131, %swap3A_132], %get3A_110 {strides = array<i32>} : memref<512x1664xf32, #tpu.memory_space<vmem>>, vector<512x128xf32>,
    %mul3A_134 = arith.mulf %convert_element_type3A_130, %convert_element_type3A : vector<512x128xf32>
    %swap3A_135 = arith.constant 0 : index
    %swap3A_136 = arith.constant 384 : index
    %swap3A_137 = vector.load %arg10[%swap3A_135, %swap3A_136] : memref<512x1664xf32, #tpu.memory_space<vmem>>, vector<512x128xf32>
    tpu.vector_store %arg10[%swap3A_135, %swap3A_136], %mul3A_134 {strides = array<i32>} : memref<512x1664xf32, #tpu.memory_space<vmem>>, vector<512x128xf32>,
    %get3A_138 = arith.constant 0 : index
    %get3A_139 = arith.constant 512 : index
    %get3A_140 = vector.load %arg9[%get3A_138, %get3A_139] : memref<512x1664xf32, #tpu.memory_space<vmem>>, vector<512x128xf32>
    %jit3A_141 = arith.constant 0xFF800000 : f32
    %broadcast_in_dim3A_142 = vector.broadcast %jit3A_141 : f32 to vector<512x128xf32>
    %select_n3A_143 = arith.select %lt3A_1, %get3A_140, %broadcast_in_dim3A_142 : vector<512x128xi1>, vector<512x128xf32>
    %reduce_max3A_144 = arith.constant dense<0xFF800000> : vector<512xf32>
    %reduce_max3A_145 = vector.multi_reduction <maximumf>, %select_n3A_143, %reduce_max3A_144 [1] : vector<512x128xf32> to vector<512xf32>
    %broadcast_in_dim3A_146 = vector.shape_cast %reduce_max3A_145 : vector<512xf32> to vector<512x1xf32>
    %jit3A_147 = arith.constant 0xFF800000 : f32
    %broadcast_in_dim3A_148 = vector.broadcast %jit3A_147 : f32 to vector<512x128xf32>
    %select_n3A_149 = arith.select %lt3A_1, %broadcast_in_dim3A_148, %get3A_140 : vector<512x128xi1>, vector<512x128xf32>
    %reduce_max3A_150 = arith.constant dense<0xFF800000> : vector<512xf32>
    %reduce_max3A_151 = vector.multi_reduction <maximumf>, %select_n3A_149, %reduce_max3A_150 [1] : vector<512x128xf32> to vector<512xf32>
    %broadcast_in_dim3A_152 = vector.shape_cast %reduce_max3A_151 : vector<512xf32> to vector<512x1xf32>
    %broadcast_in_dim3A_153 = vector.shape_cast %broadcast_in_dim3A_146 : vector<512x1xf32> to vector<512x1xf32>
    %broadcast_in_dim3A_154 = vector.broadcast %broadcast_in_dim3A_153 : vector<512x1xf32> to vector<512x128xf32>
    %broadcast_in_dim3A_155 = vector.shape_cast %broadcast_in_dim3A_152 : vector<512x1xf32> to vector<512x1xf32>
    %broadcast_in_dim3A_156 = vector.broadcast %broadcast_in_dim3A_155 : vector<512x1xf32> to vector<512x128xf32>
    %select_n3A_157 = arith.select %lt3A_1, %broadcast_in_dim3A_154, %broadcast_in_dim3A_156 : vector<512x128xi1>, vector<512x128xf32>
    %eq3A_158 = arith.cmpf oeq, %get3A_140, %select_n3A_157 : vector<512x128xf32>
    %convert_element_type3A_159 = arith.extui %eq3A_158 : vector<512x128xi1> to vector<512x128xi32>
    %convert_element_type3A_160 = arith.sitofp %convert_element_type3A_159 : vector<512x128xi32> to vector<512x128xf32>
    %swap3A_161 = arith.constant 0 : index
    %swap3A_162 = arith.constant 512 : index
    %swap3A_163 = vector.load %arg9[%swap3A_161, %swap3A_162] : memref<512x1664xf32, #tpu.memory_space<vmem>>, vector<512x128xf32>
    tpu.vector_store %arg9[%swap3A_161, %swap3A_162], %get3A_140 {strides = array<i32>} : memref<512x1664xf32, #tpu.memory_space<vmem>>, vector<512x128xf32>,
    %mul3A_164 = arith.mulf %convert_element_type3A_160, %convert_element_type3A : vector<512x128xf32>
    %swap3A_165 = arith.constant 0 : index
    %swap3A_166 = arith.constant 512 : index
    %swap3A_167 = vector.load %arg10[%swap3A_165, %swap3A_166] : memref<512x1664xf32, #tpu.memory_space<vmem>>, vector<512x128xf32>
    tpu.vector_store %arg10[%swap3A_165, %swap3A_166], %mul3A_164 {strides = array<i32>} : memref<512x1664xf32, #tpu.memory_space<vmem>>, vector<512x128xf32>,
    %get3A_168 = arith.constant 0 : index
    %get3A_169 = arith.constant 640 : index
    %get3A_170 = vector.load %arg9[%get3A_168, %get3A_169] : memref<512x1664xf32, #tpu.memory_space<vmem>>, vector<512x128xf32>
    %jit3A_171 = arith.constant 0xFF800000 : f32
    %broadcast_in_dim3A_172 = vector.broadcast %jit3A_171 : f32 to vector<512x128xf32>
    %select_n3A_173 = arith.select %lt3A_1, %get3A_170, %broadcast_in_dim3A_172 : vector<512x128xi1>, vector<512x128xf32>
    %reduce_max3A_174 = arith.constant dense<0xFF800000> : vector<512xf32>
    %reduce_max3A_175 = vector.multi_reduction <maximumf>, %select_n3A_173, %reduce_max3A_174 [1] : vector<512x128xf32> to vector<512xf32>
    %broadcast_in_dim3A_176 = vector.shape_cast %reduce_max3A_175 : vector<512xf32> to vector<512x1xf32>
    %jit3A_177 = arith.constant 0xFF800000 : f32
    %broadcast_in_dim3A_178 = vector.broadcast %jit3A_177 : f32 to vector<512x128xf32>
    %select_n3A_179 = arith.select %lt3A_1, %broadcast_in_dim3A_178, %get3A_170 : vector<512x128xi1>, vector<512x128xf32>
    %reduce_max3A_180 = arith.constant dense<0xFF800000> : vector<512xf32>
    %reduce_max3A_181 = vector.multi_reduction <maximumf>, %select_n3A_179, %reduce_max3A_180 [1] : vector<512x128xf32> to vector<512xf32>
    %broadcast_in_dim3A_182 = vector.shape_cast %reduce_max3A_181 : vector<512xf32> to vector<512x1xf32>
    %broadcast_in_dim3A_183 = vector.shape_cast %broadcast_in_dim3A_176 : vector<512x1xf32> to vector<512x1xf32>
    %broadcast_in_dim3A_184 = vector.broadcast %broadcast_in_dim3A_183 : vector<512x1xf32> to vector<512x128xf32>
    %broadcast_in_dim3A_185 = vector.shape_cast %broadcast_in_dim3A_182 : vector<512x1xf32> to vector<512x1xf32>
    %broadcast_in_dim3A_186 = vector.broadcast %broadcast_in_dim3A_185 : vector<512x1xf32> to vector<512x128xf32>
    %select_n3A_187 = arith.select %lt3A_1, %broadcast_in_dim3A_184, %broadcast_in_dim3A_186 : vector<512x128xi1>, vector<512x128xf32>
    %eq3A_188 = arith.cmpf oeq, %get3A_170, %select_n3A_187 : vector<512x128xf32>
    %convert_element_type3A_189 = arith.extui %eq3A_188 : vector<512x128xi1> to vector<512x128xi32>
    %convert_element_type3A_190 = arith.sitofp %convert_element_type3A_189 : vector<512x128xi32> to vector<512x128xf32>
    %swap3A_191 = arith.constant 0 : index
    %swap3A_192 = arith.constant 640 : index
    %swap3A_193 = vector.load %arg9[%swap3A_191, %swap3A_192] : memref<512x1664xf32, #tpu.memory_space<vmem>>, vector<512x128xf32>
    tpu.vector_store %arg9[%swap3A_191, %swap3A_192], %get3A_170 {strides = array<i32>} : memref<512x1664xf32, #tpu.memory_space<vmem>>, vector<512x128xf32>,
    %mul3A_194 = arith.mulf %convert_element_type3A_190, %convert_element_type3A : vector<512x128xf32>
    %swap3A_195 = arith.constant 0 : index
    %swap3A_196 = arith.constant 640 : index
    %swap3A_197 = vector.load %arg10[%swap3A_195, %swap3A_196] : memref<512x1664xf32, #tpu.memory_space<vmem>>, vector<512x128xf32>
    tpu.vector_store %arg10[%swap3A_195, %swap3A_196], %mul3A_194 {strides = array<i32>} : memref<512x1664xf32, #tpu.memory_space<vmem>>, vector<512x128xf32>,
    %get3A_198 = arith.constant 0 : index
    %get3A_199 = arith.constant 768 : index
    %get3A_200 = vector.load %arg9[%get3A_198, %get3A_199] : memref<512x1664xf32, #tpu.memory_space<vmem>>, vector<512x128xf32>
    %jit3A_201 = arith.constant 0xFF800000 : f32
    %broadcast_in_dim3A_202 = vector.broadcast %jit3A_201 : f32 to vector<512x128xf32>
    %select_n3A_203 = arith.select %lt3A_1, %get3A_200, %broadcast_in_dim3A_202 : vector<512x128xi1>, vector<512x128xf32>
    %reduce_max3A_204 = arith.constant dense<0xFF800000> : vector<512xf32>
    %reduce_max3A_205 = vector.multi_reduction <maximumf>, %select_n3A_203, %reduce_max3A_204 [1] : vector<512x128xf32> to vector<512xf32>
    %broadcast_in_dim3A_206 = vector.shape_cast %reduce_max3A_205 : vector<512xf32> to vector<512x1xf32>
    %jit3A_207 = arith.constant 0xFF800000 : f32
    %broadcast_in_dim3A_208 = vector.broadcast %jit3A_207 : f32 to vector<512x128xf32>
    %select_n3A_209 = arith.select %lt3A_1, %broadcast_in_dim3A_208, %get3A_200 : vector<512x128xi1>, vector<512x128xf32>
    %reduce_max3A_210 = arith.constant dense<0xFF800000> : vector<512xf32>
    %reduce_max3A_211 = vector.multi_reduction <maximumf>, %select_n3A_209, %reduce_max3A_210 [1] : vector<512x128xf32> to vector<512xf32>
    %broadcast_in_dim3A_212 = vector.shape_cast %reduce_max3A_211 : vector<512xf32> to vector<512x1xf32>
    %broadcast_in_dim3A_213 = vector.shape_cast %broadcast_in_dim3A_206 : vector<512x1xf32> to vector<512x1xf32>
    %broadcast_in_dim3A_214 = vector.broadcast %broadcast_in_dim3A_213 : vector<512x1xf32> to vector<512x128xf32>
    %broadcast_in_dim3A_215 = vector.shape_cast %broadcast_in_dim3A_212 : vector<512x1xf32> to vector<512x1xf32>
    %broadcast_in_dim3A_216 = vector.broadcast %broadcast_in_dim3A_215 : vector<512x1xf32> to vector<512x128xf32>
    %select_n3A_217 = arith.select %lt3A_1, %broadcast_in_dim3A_214, %broadcast_in_dim3A_216 : vector<512x128xi1>, vector<512x128xf32>
    %eq3A_218 = arith.cmpf oeq, %get3A_200, %select_n3A_217 : vector<512x128xf32>
    %convert_element_type3A_219 = arith.extui %eq3A_218 : vector<512x128xi1> to vector<512x128xi32>
    %convert_element_type3A_220 = arith.sitofp %convert_element_type3A_219 : vector<512x128xi32> to vector<512x128xf32>
    %swap3A_221 = arith.constant 0 : index
    %swap3A_222 = arith.constant 768 : index
    %swap3A_223 = vector.load %arg9[%swap3A_221, %swap3A_222] : memref<512x1664xf32, #tpu.memory_space<vmem>>, vector<512x128xf32>
    tpu.vector_store %arg9[%swap3A_221, %swap3A_222], %get3A_200 {strides = array<i32>} : memref<512x1664xf32, #tpu.memory_space<vmem>>, vector<512x128xf32>,
    %mul3A_224 = arith.mulf %convert_element_type3A_220, %convert_element_type3A : vector<512x128xf32>
    %swap3A_225 = arith.constant 0 : index
    %swap3A_226 = arith.constant 768 : index
    %swap3A_227 = vector.load %arg10[%swap3A_225, %swap3A_226] : memref<512x1664xf32, #tpu.memory_space<vmem>>, vector<512x128xf32>
    tpu.vector_store %arg10[%swap3A_225, %swap3A_226], %mul3A_224 {strides = array<i32>} : memref<512x1664xf32, #tpu.memory_space<vmem>>, vector<512x128xf32>,
    %get3A_228 = arith.constant 0 : index
    %get3A_229 = arith.constant 896 : index
    %get3A_230 = vector.load %arg9[%get3A_228, %get3A_229] : memref<512x1664xf32, #tpu.memory_space<vmem>>, vector<512x128xf32>
    %jit3A_231 = arith.constant 0xFF800000 : f32
    %broadcast_in_dim3A_232 = vector.broadcast %jit3A_231 : f32 to vector<512x128xf32>
    %select_n3A_233 = arith.select %lt3A_1, %get3A_230, %broadcast_in_dim3A_232 : vector<512x128xi1>, vector<512x128xf32>
    %reduce_max3A_234 = arith.constant dense<0xFF800000> : vector<512xf32>
    %reduce_max3A_235 = vector.multi_reduction <maximumf>, %select_n3A_233, %reduce_max3A_234 [1] : vector<512x128xf32> to vector<512xf32>
    %broadcast_in_dim3A_236 = vector.shape_cast %reduce_max3A_235 : vector<512xf32> to vector<512x1xf32>
    %jit3A_237 = arith.constant 0xFF800000 : f32
    %broadcast_in_dim3A_238 = vector.broadcast %jit3A_237 : f32 to vector<512x128xf32>
    %select_n3A_239 = arith.select %lt3A_1, %broadcast_in_dim3A_238, %get3A_230 : vector<512x128xi1>, vector<512x128xf32>
    %reduce_max3A_240 = arith.constant dense<0xFF800000> : vector<512xf32>
    %reduce_max3A_241 = vector.multi_reduction <maximumf>, %select_n3A_239, %reduce_max3A_240 [1] : vector<512x128xf32> to vector<512xf32>
    %broadcast_in_dim3A_242 = vector.shape_cast %reduce_max3A_241 : vector<512xf32> to vector<512x1xf32>
    %broadcast_in_dim3A_243 = vector.shape_cast %broadcast_in_dim3A_236 : vector<512x1xf32> to vector<512x1xf32>
    %broadcast_in_dim3A_244 = vector.broadcast %broadcast_in_dim3A_243 : vector<512x1xf32> to vector<512x128xf32>
    %broadcast_in_dim3A_245 = vector.shape_cast %broadcast_in_dim3A_242 : vector<512x1xf32> to vector<512x1xf32>
    %broadcast_in_dim3A_246 = vector.broadcast %broadcast_in_dim3A_245 : vector<512x1xf32> to vector<512x128xf32>
    %select_n3A_247 = arith.select %lt3A_1, %broadcast_in_dim3A_244, %broadcast_in_dim3A_246 : vector<512x128xi1>, vector<512x128xf32>
    %eq3A_248 = arith.cmpf oeq, %get3A_230, %select_n3A_247 : vector<512x128xf32>
    %convert_element_type3A_249 = arith.extui %eq3A_248 : vector<512x128xi1> to vector<512x128xi32>
    %convert_element_type3A_250 = arith.sitofp %convert_element_type3A_249 : vector<512x128xi32> to vector<512x128xf32>
    %swap3A_251 = arith.constant 0 : index
    %swap3A_252 = arith.constant 896 : index
    %swap3A_253 = vector.load %arg9[%swap3A_251, %swap3A_252] : memref<512x1664xf32, #tpu.memory_space<vmem>>, vector<512x128xf32>
    tpu.vector_store %arg9[%swap3A_251, %swap3A_252], %get3A_230 {strides = array<i32>} : memref<512x1664xf32, #tpu.memory_space<vmem>>, vector<512x128xf32>,
    %mul3A_254 = arith.mulf %convert_element_type3A_250, %convert_element_type3A : vector<512x128xf32>
    %swap3A_255 = arith.constant 0 : index
    %swap3A_256 = arith.constant 896 : index
    %swap3A_257 = vector.load %arg10[%swap3A_255, %swap3A_256] : memref<512x1664xf32, #tpu.memory_space<vmem>>, vector<512x128xf32>
    tpu.vector_store %arg10[%swap3A_255, %swap3A_256], %mul3A_254 {strides = array<i32>} : memref<512x1664xf32, #tpu.memory_space<vmem>>, vector<512x128xf32>,
    %get3A_258 = arith.constant 0 : index
    %get3A_259 = arith.constant 1024 : index
    %get3A_260 = vector.load %arg9[%get3A_258, %get3A_259] : memref<512x1664xf32, #tpu.memory_space<vmem>>, vector<512x128xf32>
    %jit3A_261 = arith.constant 0xFF800000 : f32
    %broadcast_in_dim3A_262 = vector.broadcast %jit3A_261 : f32 to vector<512x128xf32>
    %select_n3A_263 = arith.select %lt3A_1, %get3A_260, %broadcast_in_dim3A_262 : vector<512x128xi1>, vector<512x128xf32>
    %reduce_max3A_264 = arith.constant dense<0xFF800000> : vector<512xf32>
    %reduce_max3A_265 = vector.multi_reduction <maximumf>, %select_n3A_263, %reduce_max3A_264 [1] : vector<512x128xf32> to vector<512xf32>
    %broadcast_in_dim3A_266 = vector.shape_cast %reduce_max3A_265 : vector<512xf32> to vector<512x1xf32>
    %jit3A_267 = arith.constant 0xFF800000 : f32
    %broadcast_in_dim3A_268 = vector.broadcast %jit3A_267 : f32 to vector<512x128xf32>
    %select_n3A_269 = arith.select %lt3A_1, %broadcast_in_dim3A_268, %get3A_260 : vector<512x128xi1>, vector<512x128xf32>
    %reduce_max3A_270 = arith.constant dense<0xFF800000> : vector<512xf32>
    %reduce_max3A_271 = vector.multi_reduction <maximumf>, %select_n3A_269, %reduce_max3A_270 [1] : vector<512x128xf32> to vector<512xf32>
    %broadcast_in_dim3A_272 = vector.shape_cast %reduce_max3A_271 : vector<512xf32> to vector<512x1xf32>
    %broadcast_in_dim3A_273 = vector.shape_cast %broadcast_in_dim3A_266 : vector<512x1xf32> to vector<512x1xf32>
    %broadcast_in_dim3A_274 = vector.broadcast %broadcast_in_dim3A_273 : vector<512x1xf32> to vector<512x128xf32>
    %broadcast_in_dim3A_275 = vector.shape_cast %broadcast_in_dim3A_272 : vector<512x1xf32> to vector<512x1xf32>
    %broadcast_in_dim3A_276 = vector.broadcast %broadcast_in_dim3A_275 : vector<512x1xf32> to vector<512x128xf32>
    %select_n3A_277 = arith.select %lt3A_1, %broadcast_in_dim3A_274, %broadcast_in_dim3A_276 : vector<512x128xi1>, vector<512x128xf32>
    %eq3A_278 = arith.cmpf oeq, %get3A_260, %select_n3A_277 : vector<512x128xf32>
    %convert_element_type3A_279 = arith.extui %eq3A_278 : vector<512x128xi1> to vector<512x128xi32>
    %convert_element_type3A_280 = arith.sitofp %convert_element_type3A_279 : vector<512x128xi32> to vector<512x128xf32>
    %swap3A_281 = arith.constant 0 : index
    %swap3A_282 = arith.constant 1024 : index
    %swap3A_283 = vector.load %arg9[%swap3A_281, %swap3A_282] : memref<512x1664xf32, #tpu.memory_space<vmem>>, vector<512x128xf32>
    tpu.vector_store %arg9[%swap3A_281, %swap3A_282], %get3A_260 {strides = array<i32>} : memref<512x1664xf32, #tpu.memory_space<vmem>>, vector<512x128xf32>,
    %mul3A_284 = arith.mulf %convert_element_type3A_280, %convert_element_type3A : vector<512x128xf32>
    %swap3A_285 = arith.constant 0 : index
    %swap3A_286 = arith.constant 1024 : index
    %swap3A_287 = vector.load %arg10[%swap3A_285, %swap3A_286] : memref<512x1664xf32, #tpu.memory_space<vmem>>, vector<512x128xf32>
    tpu.vector_store %arg10[%swap3A_285, %swap3A_286], %mul3A_284 {strides = array<i32>} : memref<512x1664xf32, #tpu.memory_space<vmem>>, vector<512x128xf32>,
    %get3A_288 = arith.constant 0 : index
    %get3A_289 = arith.constant 1152 : index
    %get3A_290 = vector.load %arg9[%get3A_288, %get3A_289] : memref<512x1664xf32, #tpu.memory_space<vmem>>, vector<512x128xf32>
    %jit3A_291 = arith.constant 0xFF800000 : f32
    %broadcast_in_dim3A_292 = vector.broadcast %jit3A_291 : f32 to vector<512x128xf32>
    %select_n3A_293 = arith.select %lt3A_1, %get3A_290, %broadcast_in_dim3A_292 : vector<512x128xi1>, vector<512x128xf32>
    %reduce_max3A_294 = arith.constant dense<0xFF800000> : vector<512xf32>
    %reduce_max3A_295 = vector.multi_reduction <maximumf>, %select_n3A_293, %reduce_max3A_294 [1] : vector<512x128xf32> to vector<512xf32>
    %broadcast_in_dim3A_296 = vector.shape_cast %reduce_max3A_295 : vector<512xf32> to vector<512x1xf32>
    %jit3A_297 = arith.constant 0xFF800000 : f32
    %broadcast_in_dim3A_298 = vector.broadcast %jit3A_297 : f32 to vector<512x128xf32>
    %select_n3A_299 = arith.select %lt3A_1, %broadcast_in_dim3A_298, %get3A_290 : vector<512x128xi1>, vector<512x128xf32>
    %reduce_max3A_300 = arith.constant dense<0xFF800000> : vector<512xf32>
    %reduce_max3A_301 = vector.multi_reduction <maximumf>, %select_n3A_299, %reduce_max3A_300 [1] : vector<512x128xf32> to vector<512xf32>
    %broadcast_in_dim3A_302 = vector.shape_cast %reduce_max3A_301 : vector<512xf32> to vector<512x1xf32>
    %broadcast_in_dim3A_303 = vector.shape_cast %broadcast_in_dim3A_296 : vector<512x1xf32> to vector<512x1xf32>
    %broadcast_in_dim3A_304 = vector.broadcast %broadcast_in_dim3A_303 : vector<512x1xf32> to vector<512x128xf32>
    %broadcast_in_dim3A_305 = vector.shape_cast %broadcast_in_dim3A_302 : vector<512x1xf32> to vector<512x1xf32>
    %broadcast_in_dim3A_306 = vector.broadcast %broadcast_in_dim3A_305 : vector<512x1xf32> to vector<512x128xf32>
    %select_n3A_307 = arith.select %lt3A_1, %broadcast_in_dim3A_304, %broadcast_in_dim3A_306 : vector<512x128xi1>, vector<512x128xf32>
    %eq3A_308 = arith.cmpf oeq, %get3A_290, %select_n3A_307 : vector<512x128xf32>
    %convert_element_type3A_309 = arith.extui %eq3A_308 : vector<512x128xi1> to vector<512x128xi32>
    %convert_element_type3A_310 = arith.sitofp %convert_element_type3A_309 : vector<512x128xi32> to vector<512x128xf32>
    %swap3A_311 = arith.constant 0 : index
    %swap3A_312 = arith.constant 1152 : index
    %swap3A_313 = vector.load %arg9[%swap3A_311, %swap3A_312] : memref<512x1664xf32, #tpu.memory_space<vmem>>, vector<512x128xf32>
    tpu.vector_store %arg9[%swap3A_311, %swap3A_312], %get3A_290 {strides = array<i32>} : memref<512x1664xf32, #tpu.memory_space<vmem>>, vector<512x128xf32>,
    %mul3A_314 = arith.mulf %convert_element_type3A_310, %convert_element_type3A : vector<512x128xf32>
    %swap3A_315 = arith.constant 0 : index
    %swap3A_316 = arith.constant 1152 : index
    %swap3A_317 = vector.load %arg10[%swap3A_315, %swap3A_316] : memref<512x1664xf32, #tpu.memory_space<vmem>>, vector<512x128xf32>
    tpu.vector_store %arg10[%swap3A_315, %swap3A_316], %mul3A_314 {strides = array<i32>} : memref<512x1664xf32, #tpu.memory_space<vmem>>, vector<512x128xf32>,
    %get3A_318 = arith.constant 0 : index
    %get3A_319 = arith.constant 1280 : index
    %get3A_320 = vector.load %arg9[%get3A_318, %get3A_319] : memref<512x1664xf32, #tpu.memory_space<vmem>>, vector<512x128xf32>
    %jit3A_321 = arith.constant 0xFF800000 : f32
    %broadcast_in_dim3A_322 = vector.broadcast %jit3A_321 : f32 to vector<512x128xf32>
    %select_n3A_323 = arith.select %lt3A_1, %get3A_320, %broadcast_in_dim3A_322 : vector<512x128xi1>, vector<512x128xf32>
    %reduce_max3A_324 = arith.constant dense<0xFF800000> : vector<512xf32>
    %reduce_max3A_325 = vector.multi_reduction <maximumf>, %select_n3A_323, %reduce_max3A_324 [1] : vector<512x128xf32> to vector<512xf32>
    %broadcast_in_dim3A_326 = vector.shape_cast %reduce_max3A_325 : vector<512xf32> to vector<512x1xf32>
    %jit3A_327 = arith.constant 0xFF800000 : f32
    %broadcast_in_dim3A_328 = vector.broadcast %jit3A_327 : f32 to vector<512x128xf32>
    %select_n3A_329 = arith.select %lt3A_1, %broadcast_in_dim3A_328, %get3A_320 : vector<512x128xi1>, vector<512x128xf32>
    %reduce_max3A_330 = arith.constant dense<0xFF800000> : vector<512xf32>
    %reduce_max3A_331 = vector.multi_reduction <maximumf>, %select_n3A_329, %reduce_max3A_330 [1] : vector<512x128xf32> to vector<512xf32>
    %broadcast_in_dim3A_332 = vector.shape_cast %reduce_max3A_331 : vector<512xf32> to vector<512x1xf32>
    %broadcast_in_dim3A_333 = vector.shape_cast %broadcast_in_dim3A_326 : vector<512x1xf32> to vector<512x1xf32>
    %broadcast_in_dim3A_334 = vector.broadcast %broadcast_in_dim3A_333 : vector<512x1xf32> to vector<512x128xf32>
    %broadcast_in_dim3A_335 = vector.shape_cast %broadcast_in_dim3A_332 : vector<512x1xf32> to vector<512x1xf32>
    %broadcast_in_dim3A_336 = vector.broadcast %broadcast_in_dim3A_335 : vector<512x1xf32> to vector<512x128xf32>
    %select_n3A_337 = arith.select %lt3A_1, %broadcast_in_dim3A_334, %broadcast_in_dim3A_336 : vector<512x128xi1>, vector<512x128xf32>
    %eq3A_338 = arith.cmpf oeq, %get3A_320, %select_n3A_337 : vector<512x128xf32>
    %convert_element_type3A_339 = arith.extui %eq3A_338 : vector<512x128xi1> to vector<512x128xi32>
    %convert_element_type3A_340 = arith.sitofp %convert_element_type3A_339 : vector<512x128xi32> to vector<512x128xf32>
    %swap3A_341 = arith.constant 0 : index
    %swap3A_342 = arith.constant 1280 : index
    %swap3A_343 = vector.load %arg9[%swap3A_341, %swap3A_342] : memref<512x1664xf32, #tpu.memory_space<vmem>>, vector<512x128xf32>
    tpu.vector_store %arg9[%swap3A_341, %swap3A_342], %get3A_320 {strides = array<i32>} : memref<512x1664xf32, #tpu.memory_space<vmem>>, vector<512x128xf32>,
    %mul3A_344 = arith.mulf %convert_element_type3A_340, %convert_element_type3A : vector<512x128xf32>
    %swap3A_345 = arith.constant 0 : index
    %swap3A_346 = arith.constant 1280 : index
    %swap3A_347 = vector.load %arg10[%swap3A_345, %swap3A_346] : memref<512x1664xf32, #tpu.memory_space<vmem>>, vector<512x128xf32>
    tpu.vector_store %arg10[%swap3A_345, %swap3A_346], %mul3A_344 {strides = array<i32>} : memref<512x1664xf32, #tpu.memory_space<vmem>>, vector<512x128xf32>,
    %get3A_348 = arith.constant 0 : index
    %get3A_349 = arith.constant 1408 : index
    %get3A_350 = vector.load %arg9[%get3A_348, %get3A_349] : memref<512x1664xf32, #tpu.memory_space<vmem>>, vector<512x128xf32>
    %jit3A_351 = arith.constant 0xFF800000 : f32
    %broadcast_in_dim3A_352 = vector.broadcast %jit3A_351 : f32 to vector<512x128xf32>
    %select_n3A_353 = arith.select %lt3A_1, %get3A_350, %broadcast_in_dim3A_352 : vector<512x128xi1>, vector<512x128xf32>
    %reduce_max3A_354 = arith.constant dense<0xFF800000> : vector<512xf32>
    %reduce_max3A_355 = vector.multi_reduction <maximumf>, %select_n3A_353, %reduce_max3A_354 [1] : vector<512x128xf32> to vector<512xf32>
    %broadcast_in_dim3A_356 = vector.shape_cast %reduce_max3A_355 : vector<512xf32> to vector<512x1xf32>
    %jit3A_357 = arith.constant 0xFF800000 : f32
    %broadcast_in_dim3A_358 = vector.broadcast %jit3A_357 : f32 to vector<512x128xf32>
    %select_n3A_359 = arith.select %lt3A_1, %broadcast_in_dim3A_358, %get3A_350 : vector<512x128xi1>, vector<512x128xf32>
    %reduce_max3A_360 = arith.constant dense<0xFF800000> : vector<512xf32>
    %reduce_max3A_361 = vector.multi_reduction <maximumf>, %select_n3A_359, %reduce_max3A_360 [1] : vector<512x128xf32> to vector<512xf32>
    %broadcast_in_dim3A_362 = vector.shape_cast %reduce_max3A_361 : vector<512xf32> to vector<512x1xf32>
    %broadcast_in_dim3A_363 = vector.shape_cast %broadcast_in_dim3A_356 : vector<512x1xf32> to vector<512x1xf32>
    %broadcast_in_dim3A_364 = vector.broadcast %broadcast_in_dim3A_363 : vector<512x1xf32> to vector<512x128xf32>
    %broadcast_in_dim3A_365 = vector.shape_cast %broadcast_in_dim3A_362 : vector<512x1xf32> to vector<512x1xf32>
    %broadcast_in_dim3A_366 = vector.broadcast %broadcast_in_dim3A_365 : vector<512x1xf32> to vector<512x128xf32>
    %select_n3A_367 = arith.select %lt3A_1, %broadcast_in_dim3A_364, %broadcast_in_dim3A_366 : vector<512x128xi1>, vector<512x128xf32>
    %eq3A_368 = arith.cmpf oeq, %get3A_350, %select_n3A_367 : vector<512x128xf32>
    %convert_element_type3A_369 = arith.extui %eq3A_368 : vector<512x128xi1> to vector<512x128xi32>
    %convert_element_type3A_370 = arith.sitofp %convert_element_type3A_369 : vector<512x128xi32> to vector<512x128xf32>
    %swap3A_371 = arith.constant 0 : index
    %swap3A_372 = arith.constant 1408 : index
    %swap3A_373 = vector.load %arg9[%swap3A_371, %swap3A_372] : memref<512x1664xf32, #tpu.memory_space<vmem>>, vector<512x128xf32>
    tpu.vector_store %arg9[%swap3A_371, %swap3A_372], %get3A_350 {strides = array<i32>} : memref<512x1664xf32, #tpu.memory_space<vmem>>, vector<512x128xf32>,
    %mul3A_374 = arith.mulf %convert_element_type3A_370, %convert_element_type3A : vector<512x128xf32>
    %swap3A_375 = arith.constant 0 : index
    %swap3A_376 = arith.constant 1408 : index
    %swap3A_377 = vector.load %arg10[%swap3A_375, %swap3A_376] : memref<512x1664xf32, #tpu.memory_space<vmem>>, vector<512x128xf32>
    tpu.vector_store %arg10[%swap3A_375, %swap3A_376], %mul3A_374 {strides = array<i32>} : memref<512x1664xf32, #tpu.memory_space<vmem>>, vector<512x128xf32>,
    %get3A_378 = arith.constant 0 : index
    %get3A_379 = arith.constant 1536 : index
    %get3A_380 = vector.load %arg9[%get3A_378, %get3A_379] : memref<512x1664xf32, #tpu.memory_space<vmem>>, vector<512x128xf32>
    %jit3A_381 = arith.constant 0xFF800000 : f32
    %broadcast_in_dim3A_382 = vector.broadcast %jit3A_381 : f32 to vector<512x128xf32>
    %select_n3A_383 = arith.select %lt3A_1, %get3A_380, %broadcast_in_dim3A_382 : vector<512x128xi1>, vector<512x128xf32>
    %reduce_max3A_384 = arith.constant dense<0xFF800000> : vector<512xf32>
    %reduce_max3A_385 = vector.multi_reduction <maximumf>, %select_n3A_383, %reduce_max3A_384 [1] : vector<512x128xf32> to vector<512xf32>
    %broadcast_in_dim3A_386 = vector.shape_cast %reduce_max3A_385 : vector<512xf32> to vector<512x1xf32>
    %jit3A_387 = arith.constant 0xFF800000 : f32
    %broadcast_in_dim3A_388 = vector.broadcast %jit3A_387 : f32 to vector<512x128xf32>
    %select_n3A_389 = arith.select %lt3A_1, %broadcast_in_dim3A_388, %get3A_380 : vector<512x128xi1>, vector<512x128xf32>
    %reduce_max3A_390 = arith.constant dense<0xFF800000> : vector<512xf32>
    %reduce_max3A_391 = vector.multi_reduction <maximumf>, %select_n3A_389, %reduce_max3A_390 [1] : vector<512x128xf32> to vector<512xf32>
    %broadcast_in_dim3A_392 = vector.shape_cast %reduce_max3A_391 : vector<512xf32> to vector<512x1xf32>
    %broadcast_in_dim3A_393 = vector.shape_cast %broadcast_in_dim3A_386 : vector<512x1xf32> to vector<512x1xf32>
    %broadcast_in_dim3A_394 = vector.broadcast %broadcast_in_dim3A_393 : vector<512x1xf32> to vector<512x128xf32>
    %broadcast_in_dim3A_395 = vector.shape_cast %broadcast_in_dim3A_392 : vector<512x1xf32> to vector<512x1xf32>
    %broadcast_in_dim3A_396 = vector.broadcast %broadcast_in_dim3A_395 : vector<512x1xf32> to vector<512x128xf32>
    %select_n3A_397 = arith.select %lt3A_1, %broadcast_in_dim3A_394, %broadcast_in_dim3A_396 : vector<512x128xi1>, vector<512x128xf32>
    %eq3A_398 = arith.cmpf oeq, %get3A_380, %select_n3A_397 : vector<512x128xf32>
    %convert_element_type3A_399 = arith.extui %eq3A_398 : vector<512x128xi1> to vector<512x128xi32>
    %convert_element_type3A_400 = arith.sitofp %convert_element_type3A_399 : vector<512x128xi32> to vector<512x128xf32>
    %swap3A_401 = arith.constant 0 : index
    %swap3A_402 = arith.constant 1536 : index
    %swap3A_403 = vector.load %arg9[%swap3A_401, %swap3A_402] : memref<512x1664xf32, #tpu.memory_space<vmem>>, vector<512x128xf32>
    tpu.vector_store %arg9[%swap3A_401, %swap3A_402], %get3A_380 {strides = array<i32>} : memref<512x1664xf32, #tpu.memory_space<vmem>>, vector<512x128xf32>,
    %mul3A_404 = arith.mulf %convert_element_type3A_400, %convert_element_type3A : vector<512x128xf32>
    %swap3A_405 = arith.constant 0 : index
    %swap3A_406 = arith.constant 1536 : index
    %swap3A_407 = vector.load %arg10[%swap3A_405, %swap3A_406] : memref<512x1664xf32, #tpu.memory_space<vmem>>, vector<512x128xf32>
    tpu.vector_store %arg10[%swap3A_405, %swap3A_406], %mul3A_404 {strides = array<i32>} : memref<512x1664xf32, #tpu.memory_space<vmem>>, vector<512x128xf32>,
    %iota3A_408 = tpu.iota {dimensions = array<i32: 0>} : vector<1664x26xi32>
    %jit3A_409 = arith.constant 64 : i32
    %div3A = vector.broadcast %jit3A_409 : i32 to vector<1664x26xi32>
    %div3A_410 = arith.divsi %iota3A_408, %div3A : vector<1664x26xi32>
    %sign3A = arith.constant 0 : i32
    %sign3A_411 = vector.broadcast %sign3A : i32 to vector<1664x26xi32>
    %sign3A_412 = arith.cmpi sgt, %iota3A_408, %sign3A_411 : vector<1664x26xi32>
    %sign3A_413 = arith.extui %sign3A_412 : vector<1664x26xi1> to vector<1664x26xi32>
    %sign3A_414 = arith.constant 0 : i32
    %sign3A_415 = vector.broadcast %sign3A_414 : i32 to vector<1664x26xi32>
    %sign3A_416 = arith.cmpi slt, %iota3A_408, %sign3A_415 : vector<1664x26xi32>
    %sign3A_417 = arith.extui %sign3A_416 : vector<1664x26xi1> to vector<1664x26xi32>
    %sign3A_418 = arith.subi %sign3A_413, %sign3A_417 : vector<1664x26xi32>
    %sign3A_419 = arith.constant 0 : i32
    %sign3A_420 = arith.cmpi sgt, %jit3A_409, %sign3A_419 : i32
    %sign3A_421 = arith.extui %sign3A_420 : i1 to i32
    %sign3A_422 = arith.constant 0 : i32
    %sign3A_423 = arith.cmpi slt, %jit3A_409, %sign3A_422 : i32
    %sign3A_424 = arith.extui %sign3A_423 : i1 to i32
    %sign3A_425 = arith.subi %sign3A_421, %sign3A_424 : i32
    %ne3A = vector.broadcast %sign3A_425 : i32 to vector<1664x26xi32>
    %ne3A_426 = arith.cmpi ne, %sign3A_418, %ne3A : vector<1664x26xi32>
    %rem3A = vector.broadcast %jit3A_409 : i32 to vector<1664x26xi32>
    %rem3A_427 = arith.remsi %iota3A_408, %rem3A : vector<1664x26xi32>
    %ne3A_428 = arith.constant 0 : i32
    %ne3A_429 = vector.broadcast %ne3A_428 : i32 to vector<1664x26xi32>
    %ne3A_430 = arith.cmpi ne, %rem3A_427, %ne3A_429 : vector<1664x26xi32>
    %and3A_431 = arith.andi %ne3A_426, %ne3A_430 : vector<1664x26xi1>
    %sub3A = arith.constant 1 : i32
    %sub3A_432 = vector.broadcast %sub3A : i32 to vector<1664x26xi32>
    %sub3A_433 = arith.subi %div3A_410, %sub3A_432 : vector<1664x26xi32>
    %select_n3A_434 = arith.select %and3A_431, %sub3A_433, %div3A_410 : vector<1664x26xi1>, vector<1664x26xi32>
    %iota3A_435 = tpu.iota {dimensions = array<i32: 1>} : vector<1664x26xi32>
    %eq3A_436 = arith.cmpi eq, %select_n3A_434, %iota3A_435 : vector<1664x26xi32>
    %convert_element_type3A_437 = arith.extui %eq3A_436 : vector<1664x26xi1> to vector<1664x26xi32>
    %convert_element_type3A_438 = arith.sitofp %convert_element_type3A_437 : vector<1664x26xi32> to vector<1664x26xf32>
    %iota3A_439 = tpu.iota {dimensions = array<i32: 1>} : vector<26x1664xi32>
    %jit3A_440 = arith.constant 64 : i32
    %div3A_441 = vector.broadcast %jit3A_440 : i32 to vector<26x1664xi32>
    %div3A_442 = arith.divsi %iota3A_439, %div3A_441 : vector<26x1664xi32>
    %sign3A_443 = arith.constant 0 : i32
    %sign3A_444 = vector.broadcast %sign3A_443 : i32 to vector<26x1664xi32>
    %sign3A_445 = arith.cmpi sgt, %iota3A_439, %sign3A_444 : vector<26x1664xi32>
    %sign3A_446 = arith.extui %sign3A_445 : vector<26x1664xi1> to vector<26x1664xi32>
    %sign3A_447 = arith.constant 0 : i32
    %sign3A_448 = vector.broadcast %sign3A_447 : i32 to vector<26x1664xi32>
    %sign3A_449 = arith.cmpi slt, %iota3A_439, %sign3A_448 : vector<26x1664xi32>
    %sign3A_450 = arith.extui %sign3A_449 : vector<26x1664xi1> to vector<26x1664xi32>
    %sign3A_451 = arith.subi %sign3A_446, %sign3A_450 : vector<26x1664xi32>
    %sign3A_452 = arith.constant 0 : i32
    %sign3A_453 = arith.cmpi sgt, %jit3A_440, %sign3A_452 : i32
    %sign3A_454 = arith.extui %sign3A_453 : i1 to i32
    %sign3A_455 = arith.constant 0 : i32
    %sign3A_456 = arith.cmpi slt, %jit3A_440, %sign3A_455 : i32
    %sign3A_457 = arith.extui %sign3A_456 : i1 to i32
    %sign3A_458 = arith.subi %sign3A_454, %sign3A_457 : i32
    %ne3A_459 = vector.broadcast %sign3A_458 : i32 to vector<26x1664xi32>
    %ne3A_460 = arith.cmpi ne, %sign3A_451, %ne3A_459 : vector<26x1664xi32>
    %rem3A_461 = vector.broadcast %jit3A_440 : i32 to vector<26x1664xi32>
    %rem3A_462 = arith.remsi %iota3A_439, %rem3A_461 : vector<26x1664xi32>
    %ne3A_463 = arith.constant 0 : i32
    %ne3A_464 = vector.broadcast %ne3A_463 : i32 to vector<26x1664xi32>
    %ne3A_465 = arith.cmpi ne, %rem3A_462, %ne3A_464 : vector<26x1664xi32>
    %and3A_466 = arith.andi %ne3A_460, %ne3A_465 : vector<26x1664xi1>
    %sub3A_467 = arith.constant 1 : i32
    %sub3A_468 = vector.broadcast %sub3A_467 : i32 to vector<26x1664xi32>
    %sub3A_469 = arith.subi %div3A_442, %sub3A_468 : vector<26x1664xi32>
    %select_n3A_470 = arith.select %and3A_466, %sub3A_469, %div3A_442 : vector<26x1664xi1>, vector<26x1664xi32>
    %iota3A_471 = tpu.iota {dimensions = array<i32: 0>} : vector<26x1664xi32>
    %eq3A_472 = arith.cmpi eq, %select_n3A_470, %iota3A_471 : vector<26x1664xi32>
    %convert_element_type3A_473 = arith.extui %eq3A_472 : vector<26x1664xi1> to vector<26x1664xi32>
    %convert_element_type3A_474 = arith.sitofp %convert_element_type3A_473 : vector<26x1664xi32> to vector<26x1664xf32>
    %get3A_475 = arith.constant 0 : index
    %get3A_476 = arith.constant 0 : index
    %get3A_477 = vector.load %arg9[%get3A_475, %get3A_476] : memref<512x1664xf32, #tpu.memory_space<vmem>>, vector<512x1664xf32>
    %exp3A = math.exp %get3A_477 : vector<512x1664xf32>
    %dot_general3A_478 = arith.constant dense<0.000000e+00> : vector<512x26xf32>
    %dot_general3A_479 = tpu.matmul %exp3A, %convert_element_type3A_438, %dot_general3A_478 {dimension_numbers = #tpu.dot_dimension_numbers<[1], [0], [0], [1], [0, 0, 1, 1], [], []>, transpose_lhs_hint = false} : vector<512x1664xf32>, vector<1664x26xf32>, vector<512x26xf32> -> vector<512x26xf32>
    %get3A_480 = arith.constant 0 : index
    %get3A_481 = arith.constant 0 : index
    %get3A_482 = vector.load %arg10[%get3A_480, %get3A_481] : memref<512x1664xf32, #tpu.memory_space<vmem>>, vector<512x1664xf32>
    %dot_general3A_483 = arith.constant dense<0.000000e+00> : vector<512x26xf32>
    %dot_general3A_484 = tpu.matmul %get3A_482, %convert_element_type3A_438, %dot_general3A_483 {dimension_numbers = #tpu.dot_dimension_numbers<[1], [0], [0], [1], [0, 0, 1, 1], [], []>, transpose_lhs_hint = false} : vector<512x1664xf32>, vector<1664x26xf32>, vector<512x26xf32> -> vector<512x26xf32>
    %div3A_485 = arith.constant 1.000000e+00 : f32
    %div3A_486 = vector.broadcast %div3A_485 : f32 to vector<512x26xf32>
    %div3A_487 = arith.divf %div3A_486, %dot_general3A_479 : vector<512x26xf32>
    %dot_general3A_488 = arith.constant dense<0.000000e+00> : vector<512x1664xf32>
    %dot_general3A_489 = tpu.matmul %div3A_487, %convert_element_type3A_474, %dot_general3A_488 {dimension_numbers = #tpu.dot_dimension_numbers<[1], [0], [0], [1], [0, 0, 1, 1], [], []>, transpose_lhs_hint = false} : vector<512x26xf32>, vector<26x1664xf32>, vector<512x1664xf32> -> vector<512x1664xf32>
    %log3A = math.log %dot_general3A_479 : vector<512x26xf32>
    %dot_general3A_490 = arith.constant dense<0.000000e+00> : vector<512x1664xf32>
    %dot_general3A_491 = tpu.matmul %log3A, %convert_element_type3A_474, %dot_general3A_490 {dimension_numbers = #tpu.dot_dimension_numbers<[1], [0], [0], [1], [0, 0, 1, 1], [], []>, transpose_lhs_hint = false} : vector<512x26xf32>, vector<26x1664xf32>, vector<512x1664xf32> -> vector<512x1664xf32>
    %mul3A_492 = arith.mulf %exp3A, %dot_general3A_489 : vector<512x1664xf32>
    %jit3A_493 = arith.constant 9.99999997E-7 : f32
    %jit3A_494 = arith.constant 0.999998986 : f32
    %max3A = vector.broadcast %jit3A_493 : f32 to vector<512x1664xf32>
    %max3A_495 = arith.maximumf %max3A, %mul3A_492 : vector<512x1664xf32>
    %min3A = vector.broadcast %jit3A_494 : f32 to vector<512x1664xf32>
    %min3A_496 = arith.minimumf %min3A, %max3A_495 : vector<512x1664xf32>
    %sub3A_497 = arith.subf %get3A_477, %dot_general3A_491 : vector<512x1664xf32>
    %jit3A_498 = arith.constant -13.8155107 : f32
    %jit3A_499 = arith.constant -1.00000045E-6 : f32
    %max3A_500 = vector.broadcast %jit3A_498 : f32 to vector<512x1664xf32>
    %max3A_501 = arith.maximumf %max3A_500, %sub3A_497 : vector<512x1664xf32>
    %min3A_502 = vector.broadcast %jit3A_499 : f32 to vector<512x1664xf32>
    %min3A_503 = arith.minimumf %min3A_502, %max3A_501 : vector<512x1664xf32>
    %mul3A_504 = arith.mulf %min3A_496, %min3A_503 : vector<512x1664xf32>
    %dot_general3A_505 = arith.constant dense<0.000000e+00> : vector<512x26xf32>
    %dot_general3A_506 = tpu.matmul %mul3A_504, %convert_element_type3A_438, %dot_general3A_505 {dimension_numbers = #tpu.dot_dimension_numbers<[1], [0], [0], [1], [0, 0, 1, 1], [], []>, transpose_lhs_hint = false} : vector<512x1664xf32>, vector<1664x26xf32>, vector<512x26xf32> -> vector<512x26xf32>
    %convert_element_type3A_507 = arith.fptosi %dot_general3A_484 : vector<512x26xf32> to vector<512x26xi32>
    %swap3A_508 = arith.constant 0 : index
    %swap3A_509 = arith.constant 0 : index
    %swap3A_510 = vector.load %arg6[%swap3A_508, %swap3A_509] : memref<512x26xi32, #tpu.memory_space<vmem>>, vector<512x26xi32>
    tpu.vector_store %arg6[%swap3A_508, %swap3A_509], %convert_element_type3A_507 {strides = array<i32>} : memref<512x26xi32, #tpu.memory_space<vmem>>, vector<512x26xi32>,
    %reduce_sum3A = vector.shape_cast %dot_general3A_506 : vector<512x26xf32> to vector<1x512x26xf32>
    %reduce_sum3A_511 = arith.constant dense<0.000000e+00> : vector<1xf32>
    %reduce_sum3A_512 = vector.multi_reduction <add>, %reduce_sum3A, %reduce_sum3A_511 [1, 2] : vector<1x512x26xf32> to vector<1xf32>
    %reduce_sum3A_513 = vector.shape_cast %reduce_sum3A_512 : vector<1xf32> to vector<1x1x1xf32>
    %reduce_sum3A_514 = vector.extract %reduce_sum3A_513[0, 0, 0] : f32 from vector<1x1x1xf32>
    %neg3A = arith.constant 0.000000e+00 : f32
    %neg3A_515 = arith.subf %neg3A, %reduce_sum3A_514 : f32
    %reshape3A = vector.broadcast %neg3A_515 : f32 to vector<1x1x1xf32>
    %swap3A_516 = arith.constant 0 : index
    %swap3A_517 = arith.constant 0 : index
    %swap3A_518 = arith.constant 0 : index
    %swap3A_519 = vector.load %arg7[%swap3A_516, %swap3A_517, %swap3A_518] : memref<1x1x1xf32, #tpu.memory_space<vmem>>, vector<1x1x1xf32>
    tpu.vector_store %arg7[%swap3A_516, %swap3A_517, %swap3A_518], %reshape3A {strides = array<i32>} : memref<1x1x1xf32, #tpu.memory_space<vmem>>, vector<1x1x1xf32>,
    return
  }
  func.func @transform_0(%arg0: i32) -> (i32, i32) {
    %c0_i32 = arith.constant 0 : i32
    %c0_i32_0 = arith.constant 0 : i32
    return %arg0, %c0_i32 : i32, i32
  }
  func.func @transform_1(%arg0: i32) -> (i32, i32) {
    %c0_i32 = arith.constant 0 : i32
    %c0_i32_0 = arith.constant 0 : i32
    return %arg0, %c0_i32 : i32, i32
  }
  func.func @transform_2(%arg0: i32) -> (i32, i32, i32) {
    %c0_i32 = arith.constant 0 : i32
    %c0_i32_0 = arith.constant 0 : i32
    %c0_i32_1 = arith.constant 0 : i32
    %c0_i32_2 = arith.constant 0 : i32
    return %c0_i32, %c0_i32_0, %c0_i32_1 : i32, i32, i32
  }
  func.func @transform_3(%arg0: i32) -> (i32, i32) {
    %c0_i32 = arith.constant 0 : i32
    %c0_i32_0 = arith.constant 0 : i32
    return %arg0, %c0_i32 : i32, i32
  }
  func.func @transform_4(%arg0: i32) -> (i32, i32) {
    %c0_i32 = arith.constant 0 : i32
    %c0_i32_0 = arith.constant 0 : i32
    return %arg0, %c0_i32 : i32, i32
  }
  func.func @transform_5(%arg0: i32) -> (i32, i32) {
    %c0_i32 = arith.constant 0 : i32
    %c0_i32_0 = arith.constant 0 : i32
    return %arg0, %c0_i32 : i32, i32
  }
  func.func @transform_6(%arg0: i32) -> (i32, i32, i32) {
    %c0_i32 = arith.constant 0 : i32
    %c0_i32_0 = arith.constant 0 : i32
    %c0_i32_1 = arith.constant 0 : i32
    return %arg0, %c0_i32, %c0_i32_0 : i32, i32, i32
  }
}

</mosaic_0001>

<sc_bundles>
// kernel: kernel.4.cloned.1.call-start
scs
__scs_entry_jumppad:
0x0: {  	(pc) =	sbr.rel $0x88, $3  }
0x1: {  	(tag) =	ssettag $0x0;
	lr =	simm.s32 $0x1  }
0x2: {  	[smem:$0x3F9D] =	sst lr;
	_ =	strace $0xD0000000  }
0x3: {  	_ = 	snop  }
0x4: {  	_ = 	snop  }
0x5: {  	_ = 	snop  }
0x6: {  	_ = 	snop  }
0x7: {  	_ = 	snop  }
__scs_overlays_trampoline_lowered:
0x8: {  	[smem:$0x3FAC] =	sst s0  }
0x9: {  	[smem:$0x3FAD] =	sst s1  }
0xa: {  	[smem:$0x3FAE] =	sst s2  }
0xb: {  	[smem:$0x3FAF] =	sst s3  }
0xc: {  	[smem:$0x3FB0] =	sst s4  }
0xd: {  	[smem:$0x3FB1] =	sst s5  }
0xe: {  	[smem:$0x3FB2] =	sst s6  }
0xf: {  	[smem:$0x3FB3] =	sst s7  }
0x10: {  	[smem:$0x3FB4] =	sst s8  }
0x11: {  	[smem:$0x3FB5] =	sst s9;
	s0 =	simm.s32 @!p0 $0x0  }
0x12: {  	s1 =	sld [smem:$0x3F9B];
	s0 =	simm.s32 @p0 $0x1  }
0x13: {  	[smem:$0x3FB6] =	sst s0;
	s0 =	simm.s32 @!p1 $0x0  }
0x14: {  	s2 =	sld [smem:$0x3F9A];
	s0 =	simm.s32 @p1 $0x1  }
0x15: {  	[smem:$0x3FB7] =	sst s0;
	s0 =	simm.s32 @!p2 $0x0  }
0x16: {  	s3 =	sld [smem:$0x3FDB];
	s0 =	simm.s32 @p2 $0x1  }
0x17: {  	s4 =	simm.s32 $0x1BF5;
	[smem:$0x3FB9] =	sst s0  }
0x18: {  	s0 =	sld [smem:$0x3F9C];
	_ =	swait.ge [sflag:s4], $0x0  }
0x19: {  	s7 =	sld [smem:$0x3F9D]  }
0x1a: {  	s8 =	sadd.s32 $0xFFFFE003, lr  }
0x1b: {  	s9 =	sadd.s32 $0xFFFFFEF7, lr;
	s5 =	simm.s32 $0xFFFFFFFF;
	p2 =	slt.u32 s8, $0xFFFFF086  }
0x1c: {  	p1 =	slt.u32 s9, $0xF7A;
	s5 =	simm.s32 @!p2 $0x0  }
0x1d: {  	s5 =	simm.s32 @p1 $0x1;
	p0 =	seq.s32 s7, s2  }
0x1e: {  	s7 =	smul.u32 @!p0 $0xF7A, s2;
	p2 =	seq.s32 @!p0 s5, $0x0  }
0x1f: {  	s9 =	smul.u32 $0xF7A, s1;
	s8 =	simm.s32 @!p0 $0x1BF5;
	p2 =	por !p2, p0  }
0x20: {  	[sflag:s8] =	ssyncset.s32 @!p0 $0xFFFFF086;
	s6 =	sadd.s32 @!p0 s3, s7;
	s7 =	simm.s32 @!p0 $0x108  }
0x21: {  	s3 =	sadd.s32 s3, s9;
	s6 =	sadd.s32 @!p0 $0x88, s6;
	s7 =	simm.s32 @p2 $0x1082  }
0x22: {  	[simem:s7], [sflag:s8] =	dma.local @!p0 [hbm:s6], $0xF7A  }
0x23: {  	s9 =	sor.u32 $0xD0000000, s2;
	s6 =	simm.s32 $0x108;
	_ =	swait.ge @!p0 [sflag:s8], $0x0  }
0x24: {  	s3 =	sadd.s32 $0x88, s3;
	s6 =	simm.s32 @!p1 $0x1082;
	[sflag:s4] =	ssyncset.s32 $0xFFFFF086  }
0x25: {  	[simem:s6], [sflag:s4] =	dma.local [hbm:s3], $0xF7A  }
0x26: {  	[smem:$0x3F9D] =	sst s1;
	(tag) =	ssettag s2;
	_ =	strace s9  }
0x27: {  	s1 =	sld [smem:$0x3FAD]  }
0x28: {  	s2 =	sld [smem:$0x3FAE]  }
0x29: {  	s4 =	sld [smem:$0x3FB0]  }
0x2a: {  	p0 =	seq.s32 s5, $0x0;
	s5 =	sld [smem:$0x3FB1]  }
0x2b: {  	s6 =	sld [smem:$0x3FB2]  }
0x2c: {  	s7 =	sld [smem:$0x3FB3]  }
0x2d: {  	s3 =	simm.s32 $0x108;
	s8 =	sld [smem:$0x3FB4]  }
0x2e: {  	s3 =	simm.s32 @!p0 $0x1082;
	s9 =	sld [smem:$0x3FB5]  }
0x2f: {  	lr =	sadd.s32 s0, s3;
	s0 =	sld [smem:$0x3FAC]  }
0x30: {  	s3 =	sld [smem:$0x3FAF]  }
0x31: {  	[smem:$0x3FB8] =	sst s10  }
0x32: {  	s10 =	sld [smem:$0x3FB6];
	_ =	sdelay $0x3  }
0x33: {  	p0 =	seq.s32 s10, $0x1;
	s10 =	sld [smem:$0x3FB8];
	_ =	sdelay $0x3  }
0x34: {  	[smem:$0x3FB8] =	sst s10  }
0x35: {  	s10 =	sld [smem:$0x3FB7];
	_ =	sdelay $0x3  }
0x36: {  	p1 =	seq.s32 s10, $0x1;
	s10 =	sld [smem:$0x3FB8];
	_ =	sdelay $0x3  }
0x37: {  	[smem:$0x3FB8] =	sst s10  }
0x38: {  	s10 =	sld [smem:$0x3FB9]  }
0x39: {  	_ = 	snop;
	(pc) =	sbr.ind lr, $3  }
0x3a: {  	_ = 	snop  }
0x3b: {  	_ = 	snop  }
0x3c: {  	p2 =	seq.s32 s10, $0x1;
	s10 =	sld [smem:$0x3FB8]  }
0x3d: {  	_ =	shalt  }
0x3e: {  	_ =	shalt  }
0x3f: {  	_ =	shalt  }
0x40: {  	_ =	shalt  }
0x41: {  	_ =	shalt  }
0x42: {  	_ =	shalt  }
0x43: {  	_ =	shalt  }
0x44: {  	_ =	shalt  }
0x45: {  	_ =	shalt  }
0x46: {  	_ =	shalt  }
0x47: {  	_ =	shalt  }
0x48: {  	_ =	shalt  }
0x49: {  	_ =	shalt  }
0x4a: {  	_ =	shalt  }
0x4b: {  	_ =	shalt  }
0x4c: {  	_ =	shalt  }
0x4d: {  	_ =	shalt  }
0x4e: {  	_ =	shalt  }
0x4f: {  	_ =	shalt  }
0x50: {  	_ =	shalt  }
0x51: {  	_ =	shalt  }
0x52: {  	_ =	shalt  }
0x53: {  	_ =	shalt  }
0x54: {  	_ =	shalt  }
0x55: {  	_ =	shalt  }
0x56: {  	_ =	shalt  }
0x57: {  	_ =	shalt  }
0x58: {  	_ =	shalt  }
0x59: {  	_ =	shalt  }
0x5a: {  	_ =	shalt  }
0x5b: {  	_ =	shalt  }
0x5c: {  	_ =	shalt  }
0x5d: {  	_ =	shalt  }
0x5e: {  	_ =	shalt  }
0x5f: {  	_ =	shalt  }
0x60: {  	_ =	shalt  }
0x61: {  	_ =	shalt  }
0x62: {  	_ =	shalt  }
0x63: {  	_ =	shalt  }
0x64: {  	_ =	shalt  }
0x65: {  	_ =	shalt  }
0x66: {  	_ =	shalt  }
0x67: {  	_ =	shalt  }
0x68: {  	_ =	shalt  }
0x69: {  	_ =	shalt  }
0x6a: {  	_ =	shalt  }
0x6b: {  	_ =	shalt  }
0x6c: {  	_ =	shalt  }
0x6d: {  	_ =	shalt  }
0x6e: {  	_ =	shalt  }
0x6f: {  	_ =	shalt  }
0x70: {  	_ =	shalt  }
0x71: {  	_ =	shalt  }
0x72: {  	_ =	shalt  }
0x73: {  	_ =	shalt  }
0x74: {  	_ =	shalt  }
0x75: {  	_ =	shalt  }
0x76: {  	_ =	shalt  }
0x77: {  	_ =	shalt  }
0x78: {  	_ =	shalt  }
0x79: {  	_ =	shalt  }
0x7a: {  	_ =	shalt  }
0x7b: {  	_ =	shalt  }
0x7c: {  	_ =	shalt  }
0x7d: {  	_ =	shalt  }
0x7e: {  	_ =	shalt  }
0x7f: {  	_ =	shalt  }
0x80: {  	_ =	shalt  }
0x81: {  	_ =	shalt  }
0x82: {  	_ =	shalt  }
0x83: {  	_ =	shalt  }
0x84: {  	_ =	shalt  }
0x85: {  	_ =	shalt  }
0x86: {  	_ =	shalt  }
0x87: {  	_ =	shalt  }
.Lfunc_end0:
.L_simem_size_0:
called_computation_lowered:
.L_overlay_start_0:
0x88: {  	s2 =	sld [smem:$0x3FD9]  }
0x89: {  	s3 =	sld [smem:$0x3FFE];
	_ =	sdelay $0x1  }
0x8a: {  	s1 =	srdreg.scid  }
0x8b: {  	s0 =	sand.u32 $0x1, s1  }
0x8c: {  	s14 =	sshll.u32 s0, $0xA;
	s2 =	sadd.s32 s3, s2  }
0x8d: {  	s2 =	sadd.s32 s2, s14  }
0x8e: {  	[smem:$0x3FC4] =	sst s2  }
0x8f: {  	_ = 	snop  }
0x90: {  	s2 =	sld [smem:$0x3FD0];
	_ =	sdelay $0x2  }
0x91: {  	s15 =	simm.s32 $0xA;
	s4 =	simm.s32 $0x10  }
0x92: {  	[smem:s4], [sflag:s15] =	dma.local [hbm:s2], $0x1  }
0x93: {  	_ =	swait.eq [sflag:s15], $0x1  }
0x94: {  	[sflag:s15] =	ssyncset.done $0x0  }
0x95: {  	[sflag:s15] =	ssyncadd.s32 $0xFFFFFFFF  }
0x96: {  	s16 =	sld [smem:$0x10];
	(tm) =	ssettm $0x1  }
0x97: {  	s17 =	sld [smem:$0x3FFB];
	_ =	sdelay $0x3  }
0x98: {  	_ =	strace s17  }
0x99: {  	s3 =	sld [smem:$0x3FFC];
	_ =	sdelay $0x3  }
0x9a: {  	_ =	strace s3  }
0x9b: {  	s3 =	sld [smem:$0x3FFD];
	_ =	sdelay $0x3  }
0x9c: {  	_ =	strace s3  }
0x9d: {  	_ =	strace $0x8FFFFFFF  }
0x9e: {  	s18 =	sld [smem:$0x3FDB];
	_ =	sdelay $0x1  }
0x9f: {  	s19 =	simm.s32 $_scs_section_size  }
0xa0: {  	s5 =	simm.s32 $_size__tile_overlayer_lowered;
	s6 =	simm.s32 $_tile_overlayer_lowered  }
0xa1: {  	s22 =	simm.s32 $0x1BFF;
	s21 =	sshll.u32 s6, $0x1;
	s3 =	sadd.s32 s19, s18  }
0xa2: {  	s7 =	simm.s32 $0x0;
	s20 =	sshll.u32 s5, $0x1;
	s5 =	sadd.s32 s21, s3  }
0xa3: {  	[timem:s7], [sflag:s22] =	dma.local [hbm:s5], s20  }
0xa4: {  	_ =	swait.ge [sflag:s22], s20  }
0xa5: {  	s4 =	ssub.s32 $0x0, s20;
	[sflag:s22] =	ssyncset.done $0x0  }
0xa6: {  	[sflag:s22] =	ssyncadd.s32 s4;
	_ =	sdelay $0x1  }
0xa7: {  	s23 =	simm.s32 $0x1B8B  }
0xa8: {  	_ =	swait.ge [sflag:s23], $0x1  }
0xa9: {  	[sflag:s23] =	ssyncset.done $0x0  }
0xaa: {  	s25 =	simm.s32 $0x1B8E;
	s24 =	sld [smem:$0x3FFE];
	[sflag:s23] =	ssyncadd.s32 $0xFFFFFFFF  }
0xab: {  	s26 =	simm.s32 $execute0_lowered;
	[smem:$0x3FD2] =	sst s25  }
0xac: {  	s5 =	sshll.u32 s26, $0x1;
	_ =	strace $0x80000046;
	[dreg:$0x1] =	wrdreg $0xFFFFFFFF  }
0xad: {  	s28 =	simm.s32 $_size_execute0_lowered;
	s3 =	sadd.s32 s3, s5;
	[dreg:$0x0] =	wrdreg $0x0  }
0xae: {  	s5 =	sshll.u32 s28, $0x1;
	[dreg:$0x2] =	wrdreg s3  }
0xaf: {  	[dreg:$0x3] =	wrdreg s5  }
0xb0: {  	[dreg:$0x4] =	wrdreg $0xC0  }
0xb1: {  	_ =	task [dreg:s7], $0x5FFFF  }
0xb2: {  	[dreg:$0x1] =	wrdreg $0xFFFFFFFF  }
0xb3: {  	[dreg:$0x0] =	wrdreg $0x60  }
0xb4: {  	[dreg:$0x2] =	wrdreg s24  }
0xb5: {  	[dreg:$0x3] =	wrdreg s16  }
0xb6: {  	[dreg:$0x4] =	wrdreg $0x9  }
0xb7: {  	_ =	task.clear_ibuf [dreg:s7], $0x5FFFF;
	_ =	strace $0x90000046  }
0xb8: {  	s29 =	simm.s32 $0x9;
	_ =	strace $0x80000048  }
0xb9: {  	_ =	swait.ge [sflag:s29], $0x1  }
0xba: {  	[sflag:s29] =	ssyncadd.s32 $0xFFFFFFFF  }
0xbb: {  	_ =	strace $0x90000048  }
0xbc: {  	_ =	sfence  }
0xbd: {  	s30 =	sld [smem:$0x0];
	_ =	sdelay $0x2  }
0xbe: {  	s31 =	sshll.u32 s1, $0xD;
	s1 =	sshrl.u32 s1, $0x2  }
0xbf: {  	s3 =	sand.u32 $0x4000, s31;
	s1 =	sadd.s32 s1, s30  }
0xc0: {  	s0 =	sor.u32 s3, s0;
	s1 =	sshll.u32 s1, $0x11  }
0xc1: {  	s0 =	sor.u32 s1, s0  }
0xc2: {  	s0 =	sadd.s32 $0x8F2B, s0  }
0xc3: {  	[sflag:s0] =	ssyncadd.remote.s32 $0x1  }
0xc4: {  	_ =	sfence.sel $0xFFFF  }
0xc5: {  	[dreg:$0x0] =	wrdreg $0xFFFFFFFF;
	(pc) =	sbr.abs _section_cstart, $3  }
0xc6: {  	[dreg:$0x1] =	wrdreg $0xFFFFFFFF  }
0xc7: {  	_ =	task.clear_ibuf [dreg:s7], $0x2FFFF;
	_ =	strace $0x9FFFFFFF  }
0xc8: {  	(tm) =	ssettm $0x7FFFFFFF  }
0xc9: {  	_ =	shalt  }
tec
execute0_lowered:
.L_overlay_start_1:
0x0: {  	(tag) =	ssettag $0x1  }
0x1: {  	s0 =	srdreg.scid;
	s1 =	stileid.u32  }
0x2: {  	s31 =	sand.u32 $0x1, s0;
	s25 =	sshll.u32 s1, $0x1  }
0x3: {  	s3 =	sor.u32 s31, s25  }
0x4: {  	s0 =	smul.u32 $0xD00, s3  }
0x5: {  	s4 =	rddreg [dreg:$0x0];
	s3 =	smul.u32 $0xD000, s3  }
0x6: {  	s30 =	rddreg [dreg:$0x1];
	s2 =	simm.s32 $0x0;
	s1 =	sadd.s32 $0xDA00, s4  }
0x7: {  	[smem:$0x7FF] =	sst s2;
	s5 =	sshrl.u32 s0, $0x3;
	s3 =	sadd.s32 s1, s3  }
0x8: {  	_ =	strace $0x80000047;
	s5 =	sadd.s32 s30, s5;
	[dreg:$0x4] =	wrdreg s3  }
0x9: {  	[dreg:$0x3] =	wrdreg s5  }
0xa: {  	s3 =	simm.s32 $0x2;
	s5 =	rddreg [dreg:$0x3]  }
0xb: {  	[tilespmem:s2], [sflag:$0x2] =	stream.linear.gather [hbm4b:s5+s2], $0x100, $0x38;
	[tilespmem:$0x8100] =	vst v63  }
0xc: {  	_ =	swait.ge [sflag:s3], $0x100  }
0xd: {  	s6 =	simm.s32 $0x1;
	[sflag:s3] =	ssyncset.done $0x0  }
0xe: {  	s4 =	sadd.s32 $0xA00, s4;
	s5 =	simm.s32 $0x100;
	[sflag:s3] =	ssyncadd.s32 $0xFFFFFF00  }
0xf: {  	[tilespmem:s5], [sflag:$0x1] =	stream.indirect.gather [hbm4b:s4+s5], $0x80, s2, s5, $0xb8;
	[tilespmem:$0x8100] =	vst v63  }
0x10: {  	_ =	swait.ge [sflag:s6], $0x8000  }
0x11: {  	[sflag:s6] =	ssyncset.done $0x0  }
0x12: {  	s7 =	rddreg [dreg:$0x4];
	[sflag:s6] =	ssyncadd.s32 $0xFFFF8000  }
0x13: {  	[hbm4b:s7+s2] =	stream.linear.scatter [tilespmem:s5], [sflag:$0x2], $0x8000, $0x38;
	[tilespmem:$0x8100] =	vst v63  }
0x14: {  	s8 =	sadd.s32 $0x100, s0;
	_ =	swait.ge [sflag:s3], $0x8000  }
0x15: {  	s26 =	sshrl.u32 s8, $0x3;
	[sflag:s3] =	ssyncset.done $0x0  }
0x16: {  	s7 =	sadd.s32 s30, s26;
	[sflag:s3] =	ssyncadd.s32 $0xFFFF8000  }
0x17: {  	[tilespmem:s2], [sflag:$0x2] =	stream.linear.gather [hbm4b:s7+s2], $0x100, $0x38;
	[tilespmem:$0x8100] =	vst v63  }
0x18: {  	_ =	swait.ge [sflag:s3], $0x100  }
0x19: {  	[sflag:s3] =	ssyncset.done $0x0  }
0x1a: {  	[sflag:s3] =	ssyncadd.s32 $0xFFFFFF00  }
0x1b: {  	[tilespmem:s5], [sflag:$0x1] =	stream.indirect.gather [hbm4b:s4+s5], $0x80, s2, s5, $0xb8;
	[tilespmem:$0x8100] =	vst v63  }
0x1c: {  	_ =	swait.ge [sflag:s6], $0x8000  }
0x1d: {  	s8 =	sshll.u32 s8, $0x4;
	[sflag:s6] =	ssyncset.done $0x0  }
0x1e: {  	s8 =	sadd.s32 s1, s8;
	[sflag:s6] =	ssyncadd.s32 $0xFFFF8000  }
0x1f: {  	[hbm4b:s8+s2] =	stream.linear.scatter [tilespmem:s5], [sflag:$0x2], $0x8000, $0x38;
	[tilespmem:$0x8100] =	vst v63  }
0x20: {  	s10 =	sadd.s32 $0x200, s0;
	_ =	swait.ge [sflag:s3], $0x8000  }
0x21: {  	s9 =	sshrl.u32 s10, $0x3;
	[sflag:s3] =	ssyncset.done $0x0  }
0x22: {  	s9 =	sadd.s32 s30, s9;
	[sflag:s3] =	ssyncadd.s32 $0xFFFF8000  }
0x23: {  	[tilespmem:s2], [sflag:$0x2] =	stream.linear.gather [hbm4b:s9+s2], $0x100, $0x38;
	[tilespmem:$0x8100] =	vst v63  }
0x24: {  	_ =	swait.ge [sflag:s3], $0x100  }
0x25: {  	[sflag:s3] =	ssyncset.done $0x0  }
0x26: {  	[sflag:s3] =	ssyncadd.s32 $0xFFFFFF00  }
0x27: {  	[tilespmem:s5], [sflag:$0x1] =	stream.indirect.gather [hbm4b:s4+s5], $0x80, s2, s5, $0xb8;
	[tilespmem:$0x8100] =	vst v63  }
0x28: {  	_ =	swait.ge [sflag:s6], $0x8000  }
0x29: {  	s10 =	sshll.u32 s10, $0x4;
	[sflag:s6] =	ssyncset.done $0x0  }
0x2a: {  	s10 =	sadd.s32 s1, s10;
	[sflag:s6] =	ssyncadd.s32 $0xFFFF8000  }
0x2b: {  	[hbm4b:s10+s2] =	stream.linear.scatter [tilespmem:s5], [sflag:$0x2], $0x8000, $0x38;
	[tilespmem:$0x8100] =	vst v63  }
0x2c: {  	s12 =	sadd.s32 $0x300, s0;
	_ =	swait.ge [sflag:s3], $0x8000  }
0x2d: {  	s11 =	sshrl.u32 s12, $0x3;
	[sflag:s3] =	ssyncset.done $0x0  }
0x2e: {  	s11 =	sadd.s32 s30, s11;
	[sflag:s3] =	ssyncadd.s32 $0xFFFF8000  }
0x2f: {  	[tilespmem:s2], [sflag:$0x2] =	stream.linear.gather [hbm4b:s11+s2], $0x100, $0x38;
	[tilespmem:$0x8100] =	vst v63  }
0x30: {  	_ =	swait.ge [sflag:s3], $0x100  }
0x31: {  	[sflag:s3] =	ssyncset.done $0x0  }
0x32: {  	[sflag:s3] =	ssyncadd.s32 $0xFFFFFF00  }
0x33: {  	[tilespmem:s5], [sflag:$0x1] =	stream.indirect.gather [hbm4b:s4+s5], $0x80, s2, s5, $0xb8;
	[tilespmem:$0x8100] =	vst v63  }
0x34: {  	_ =	swait.ge [sflag:s6], $0x8000  }
0x35: {  	s12 =	sshll.u32 s12, $0x4;
	[sflag:s6] =	ssyncset.done $0x0  }
0x36: {  	s12 =	sadd.s32 s1, s12;
	[sflag:s6] =	ssyncadd.s32 $0xFFFF8000  }
0x37: {  	[hbm4b:s12+s2] =	stream.linear.scatter [tilespmem:s5], [sflag:$0x2], $0x8000, $0x38;
	[tilespmem:$0x8100] =	vst v63  }
0x38: {  	s14 =	sadd.s32 $0x400, s0;
	_ =	swait.ge [sflag:s3], $0x8000  }
0x39: {  	s13 =	sshrl.u32 s14, $0x3;
	[sflag:s3] =	ssyncset.done $0x0  }
0x3a: {  	s13 =	sadd.s32 s30, s13;
	[sflag:s3] =	ssyncadd.s32 $0xFFFF8000  }
0x3b: {  	[tilespmem:s2], [sflag:$0x2] =	stream.linear.gather [hbm4b:s13+s2], $0x100, $0x38;
	[tilespmem:$0x8100] =	vst v63  }
0x3c: {  	_ =	swait.ge [sflag:s3], $0x100  }
0x3d: {  	[sflag:s3] =	ssyncset.done $0x0  }
0x3e: {  	[sflag:s3] =	ssyncadd.s32 $0xFFFFFF00  }
0x3f: {  	[tilespmem:s5], [sflag:$0x1] =	stream.indirect.gather [hbm4b:s4+s5], $0x80, s2, s5, $0xb8;
	[tilespmem:$0x8100] =	vst v63  }
0x40: {  	_ =	swait.ge [sflag:s6], $0x8000  }
0x41: {  	s14 =	sshll.u32 s14, $0x4;
	[sflag:s6] =	ssyncset.done $0x0  }
0x42: {  	s14 =	sadd.s32 s1, s14;
	[sflag:s6] =	ssyncadd.s32 $0xFFFF8000  }
0x43: {  	[hbm4b:s14+s2] =	stream.linear.scatter [tilespmem:s5], [sflag:$0x2], $0x8000, $0x38;
	[tilespmem:$0x8100] =	vst v63  }
0x44: {  	s16 =	sadd.s32 $0x500, s0;
	_ =	swait.ge [sflag:s3], $0x8000  }
0x45: {  	s15 =	sshrl.u32 s16, $0x3;
	[sflag:s3] =	ssyncset.done $0x0  }
0x46: {  	s15 =	sadd.s32 s30, s15;
	[sflag:s3] =	ssyncadd.s32 $0xFFFF8000  }
0x47: {  	[tilespmem:s2], [sflag:$0x2] =	stream.linear.gather [hbm4b:s15+s2], $0x100, $0x38;
	[tilespmem:$0x8100] =	vst v63  }
0x48: {  	_ =	swait.ge [sflag:s3], $0x100  }
0x49: {  	[sflag:s3] =	ssyncset.done $0x0  }
0x4a: {  	[sflag:s3] =	ssyncadd.s32 $0xFFFFFF00  }
0x4b: {  	[tilespmem:s5], [sflag:$0x1] =	stream.indirect.gather [hbm4b:s4+s5], $0x80, s2, s5, $0xb8;
	[tilespmem:$0x8100] =	vst v63  }
0x4c: {  	_ =	swait.ge [sflag:s6], $0x8000  }
0x4d: {  	s16 =	sshll.u32 s16, $0x4;
	[sflag:s6] =	ssyncset.done $0x0  }
0x4e: {  	s16 =	sadd.s32 s1, s16;
	[sflag:s6] =	ssyncadd.s32 $0xFFFF8000  }
0x4f: {  	[hbm4b:s16+s2] =	stream.linear.scatter [tilespmem:s5], [sflag:$0x2], $0x8000, $0x38;
	[tilespmem:$0x8100] =	vst v63  }
0x50: {  	s18 =	sadd.s32 $0x600, s0;
	_ =	swait.ge [sflag:s3], $0x8000  }
0x51: {  	s17 =	sshrl.u32 s18, $0x3;
	[sflag:s3] =	ssyncset.done $0x0  }
0x52: {  	s17 =	sadd.s32 s30, s17;
	[sflag:s3] =	ssyncadd.s32 $0xFFFF8000  }
0x53: {  	[tilespmem:s2], [sflag:$0x2] =	stream.linear.gather [hbm4b:s17+s2], $0x100, $0x38;
	[tilespmem:$0x8100] =	vst v63  }
0x54: {  	_ =	swait.ge [sflag:s3], $0x100  }
0x55: {  	[sflag:s3] =	ssyncset.done $0x0  }
0x56: {  	[sflag:s3] =	ssyncadd.s32 $0xFFFFFF00  }
0x57: {  	[tilespmem:s5], [sflag:$0x1] =	stream.indirect.gather [hbm4b:s4+s5], $0x80, s2, s5, $0xb8;
	[tilespmem:$0x8100] =	vst v63  }
0x58: {  	_ =	swait.ge [sflag:s6], $0x8000  }
0x59: {  	s18 =	sshll.u32 s18, $0x4;
	[sflag:s6] =	ssyncset.done $0x0  }
0x5a: {  	s18 =	sadd.s32 s1, s18;
	[sflag:s6] =	ssyncadd.s32 $0xFFFF8000  }
0x5b: {  	[hbm4b:s18+s2] =	stream.linear.scatter [tilespmem:s5], [sflag:$0x2], $0x8000, $0x38;
	[tilespmem:$0x8100] =	vst v63  }
0x5c: {  	s20 =	sadd.s32 $0x700, s0;
	_ =	swait.ge [sflag:s3], $0x8000  }
0x5d: {  	s19 =	sshrl.u32 s20, $0x3;
	[sflag:s3] =	ssyncset.done $0x0  }
0x5e: {  	s19 =	sadd.s32 s30, s19;
	[sflag:s3] =	ssyncadd.s32 $0xFFFF8000  }
0x5f: {  	[tilespmem:s2], [sflag:$0x2] =	stream.linear.gather [hbm4b:s19+s2], $0x100, $0x38;
	[tilespmem:$0x8100] =	vst v63  }
0x60: {  	_ =	swait.ge [sflag:s3], $0x100  }
0x61: {  	[sflag:s3] =	ssyncset.done $0x0  }
0x62: {  	[sflag:s3] =	ssyncadd.s32 $0xFFFFFF00  }
0x63: {  	[tilespmem:s5], [sflag:$0x1] =	stream.indirect.gather [hbm4b:s4+s5], $0x80, s2, s5, $0xb8;
	[tilespmem:$0x8100] =	vst v63  }
0x64: {  	_ =	swait.ge [sflag:s6], $0x8000  }
0x65: {  	s20 =	sshll.u32 s20, $0x4;
	[sflag:s6] =	ssyncset.done $0x0  }
0x66: {  	s20 =	sadd.s32 s1, s20;
	[sflag:s6] =	ssyncadd.s32 $0xFFFF8000  }
0x67: {  	[hbm4b:s20+s2] =	stream.linear.scatter [tilespmem:s5], [sflag:$0x2], $0x8000, $0x38;
	[tilespmem:$0x8100] =	vst v63  }
0x68: {  	s22 =	sadd.s32 $0x800, s0;
	_ =	swait.ge [sflag:s3], $0x8000  }
0x69: {  	s21 =	sshrl.u32 s22, $0x3;
	[sflag:s3] =	ssyncset.done $0x0  }
0x6a: {  	s21 =	sadd.s32 s30, s21;
	[sflag:s3] =	ssyncadd.s32 $0xFFFF8000  }
0x6b: {  	[tilespmem:s2], [sflag:$0x2] =	stream.linear.gather [hbm4b:s21+s2], $0x100, $0x38;
	[tilespmem:$0x8100] =	vst v63  }
0x6c: {  	_ =	swait.ge [sflag:s3], $0x100  }
0x6d: {  	[sflag:s3] =	ssyncset.done $0x0  }
0x6e: {  	[sflag:s3] =	ssyncadd.s32 $0xFFFFFF00  }
0x6f: {  	[tilespmem:s5], [sflag:$0x1] =	stream.indirect.gather [hbm4b:s4+s5], $0x80, s2, s5, $0xb8;
	[tilespmem:$0x8100] =	vst v63  }
0x70: {  	_ =	swait.ge [sflag:s6], $0x8000  }
0x71: {  	s22 =	sshll.u32 s22, $0x4;
	[sflag:s6] =	ssyncset.done $0x0  }
0x72: {  	s22 =	sadd.s32 s1, s22;
	[sflag:s6] =	ssyncadd.s32 $0xFFFF8000  }
0x73: {  	[hbm4b:s22+s2] =	stream.linear.scatter [tilespmem:s5], [sflag:$0x2], $0x8000, $0x38;
	[tilespmem:$0x8100] =	vst v63  }
0x74: {  	s24 =	sadd.s32 $0x900, s0;
	_ =	swait.ge [sflag:s3], $0x8000  }
0x75: {  	s23 =	sshrl.u32 s24, $0x3;
	[sflag:s3] =	ssyncset.done $0x0  }
0x76: {  	s23 =	sadd.s32 s30, s23;
	[sflag:s3] =	ssyncadd.s32 $0xFFFF8000  }
0x77: {  	[tilespmem:s2], [sflag:$0x2] =	stream.linear.gather [hbm4b:s23+s2], $0x100, $0x38;
	[tilespmem:$0x8100] =	vst v63  }
0x78: {  	_ =	swait.ge [sflag:s3], $0x100  }
0x79: {  	[sflag:s3] =	ssyncset.done $0x0  }
0x7a: {  	[sflag:s3] =	ssyncadd.s32 $0xFFFFFF00  }
0x7b: {  	[tilespmem:s5], [sflag:$0x1] =	stream.indirect.gather [hbm4b:s4+s5], $0x80, s2, s5, $0xb8;
	[tilespmem:$0x8100] =	vst v63  }
0x7c: {  	_ =	swait.ge [sflag:s6], $0x8000  }
0x7d: {  	s24 =	sshll.u32 s24, $0x4;
	[sflag:s6] =	ssyncset.done $0x0  }
0x7e: {  	s24 =	sadd.s32 s1, s24;
	[sflag:s6] =	ssyncadd.s32 $0xFFFF8000  }
0x7f: {  	[hbm4b:s24+s2] =	stream.linear.scatter [tilespmem:s5], [sflag:$0x2], $0x8000, $0x38;
	[tilespmem:$0x8100] =	vst v63  }
0x80: {  	s26 =	sadd.s32 $0xA00, s0;
	_ =	swait.ge [sflag:s3], $0x8000  }
0x81: {  	s25 =	sshrl.u32 s26, $0x3;
	[sflag:s3] =	ssyncset.done $0x0  }
0x82: {  	s25 =	sadd.s32 s30, s25;
	[sflag:s3] =	ssyncadd.s32 $0xFFFF8000  }
0x83: {  	[tilespmem:s2], [sflag:$0x2] =	stream.linear.gather [hbm4b:s25+s2], $0x100, $0x38;
	[tilespmem:$0x8100] =	vst v63  }
0x84: {  	_ =	swait.ge [sflag:s3], $0x100  }
0x85: {  	[sflag:s3] =	ssyncset.done $0x0  }
0x86: {  	[sflag:s3] =	ssyncadd.s32 $0xFFFFFF00  }
0x87: {  	[tilespmem:s5], [sflag:$0x1] =	stream.indirect.gather [hbm4b:s4+s5], $0x80, s2, s5, $0xb8;
	[tilespmem:$0x8100] =	vst v63  }
0x88: {  	_ =	swait.ge [sflag:s6], $0x8000  }
0x89: {  	s26 =	sshll.u32 s26, $0x4;
	[sflag:s6] =	ssyncset.done $0x0  }
0x8a: {  	s26 =	sadd.s32 s1, s26;
	[dreg:$0x5] =	wrdreg s1;
	[sflag:s6] =	ssyncadd.s32 $0xFFFF8000  }
0x8b: {  	[hbm4b:s26+s2] =	stream.linear.scatter [tilespmem:s5], [sflag:$0x2], $0x8000, $0x38;
	[tilespmem:$0x8100] =	vst v63  }
0x8c: {  	s29 =	sadd.s32 $0xB00, s0;
	_ =	swait.ge [sflag:s3], $0x8000  }
0x8d: {  	s28 =	sshrl.u32 s29, $0x3;
	[sflag:s3] =	ssyncset.done $0x0  }
0x8e: {  	s28 =	sadd.s32 s30, s28;
	[sflag:s3] =	ssyncadd.s32 $0xFFFF8000  }
0x8f: {  	[tilespmem:s2], [sflag:$0x2] =	stream.linear.gather [hbm4b:s28+s2], $0x100, $0x38;
	[tilespmem:$0x8100] =	vst v63  }
0x90: {  	_ =	swait.ge [sflag:s3], $0x100  }
0x91: {  	[sflag:s3] =	ssyncset.done $0x0  }
0x92: {  	[sflag:s3] =	ssyncadd.s32 $0xFFFFFF00  }
0x93: {  	[tilespmem:s5], [sflag:$0x1] =	stream.indirect.gather [hbm4b:s4+s5], $0x80, s2, s5, $0xb8;
	[tilespmem:$0x8100] =	vst v63  }
0x94: {  	_ =	swait.ge [sflag:s6], $0x8000  }
0x95: {  	s29 =	sshll.u32 s29, $0x4;
	[sflag:s6] =	ssyncset.done $0x0  }
0x96: {  	s29 =	sadd.s32 s1, s29;
	s0 =	sadd.s32 $0xC00, s0;
	[sflag:s6] =	ssyncadd.s32 $0xFFFF8000  }
0x97: {  	[hbm4b:s29+s2] =	stream.linear.scatter [tilespmem:s5], [sflag:$0x2], $0x8000, $0x38;
	[tilespmem:$0x8100] =	vst v63  }
0x98: {  	s1 =	sshrl.u32 s0, $0x3;
	_ =	swait.ge [sflag:s3], $0x8000  }
0x99: {  	s30 =	sadd.s32 s30, s1;
	s1 =	ssub.s32 $0x2, s31;
	[sflag:s3] =	ssyncset.done $0x0  }
0x9a: {  	s31 =	sshrl.u32 s1, $0x1;
	[sflag:s3] =	ssyncadd.s32 $0xFFFF8000  }
0x9b: {  	[tilespmem:s2], [sflag:$0x2] =	stream.linear.gather [hbm4b:s30+s2], $0x100, $0x38;
	[tilespmem:$0x8100] =	vst v63  }
0x9c: {  	s1 =	ssub.s32 s1, s31;
	_ =	swait.ge [sflag:s3], $0x100  }
0x9d: {  	s1 =	smax.u32 s1, $0x1;
	[sflag:s3] =	ssyncset.done $0x0  }
0x9e: {  	p0 =	sne.s32 s1, $0x1;
	[sflag:s3] =	ssyncadd.s32 $0xFFFFFF00  }
0x9f: {  	[tilespmem:s5], [sflag:$0x1] =	stream.indirect.gather [hbm4b:s4+s5], $0x80, s2, s5, $0xb8;
	[tilespmem:$0x8100] =	vst v63  }
.Ltmp0:
0xa0: {  	_ =	swait.ge [sflag:s6], $0x8000;
	(pc) =	sbr.rel @!p0 .LBB2_2-.Ltmp0, $4  }
0xa1: {  	s0 =	sshll.u32 s0, $0x4;
	[sflag:s6] =	ssyncset.done $0x0;
	s31 =	rddreg [dreg:$0x5]  }
0xa2: {  	s31 =	sadd.s32 s31, s0;
	[sflag:s6] =	ssyncadd.s32 $0xFFFF8000  }
0xa3: {  	[hbm4b:s31+s2] =	stream.linear.scatter [tilespmem:s5], [sflag:$0x2], $0x8000, $0x38;
	[tilespmem:$0x8100] =	vst v63  }
0xa4: {  	s1 =	sadd.s32 $0xFFFFFFFF, s1;
	_ =	swait.ge [sflag:s3], $0x8000  }
.LBB2_1:
0xa5: {  	[sflag:s3] =	ssyncset.done $0x0  }
0xa6: {  	s0 =	rddreg [dreg:$0x3];
	[sflag:s3] =	ssyncadd.s32 $0xFFFF8000  }
0xa7: {  	[tilespmem:s2], [sflag:$0x2] =	stream.linear.gather [hbm4b:s0+s2], $0x100, $0x38;
	[tilespmem:$0x8100] =	vst v63  }
0xa8: {  	_ =	swait.ge [sflag:s3], $0x100  }
0xa9: {  	[sflag:s3] =	ssyncset.done $0x0  }
0xaa: {  	[sflag:s3] =	ssyncadd.s32 $0xFFFFFF00  }
0xab: {  	[tilespmem:s5], [sflag:$0x1] =	stream.indirect.gather [hbm4b:s4+s5], $0x80, s2, s5, $0xb8;
	[tilespmem:$0x8100] =	vst v63  }
0xac: {  	_ =	swait.ge [sflag:s6], $0x8000  }
0xad: {  	[sflag:s6] =	ssyncset.done $0x0  }
0xae: {  	s0 =	rddreg [dreg:$0x4];
	[sflag:s6] =	ssyncadd.s32 $0xFFFF8000  }
0xaf: {  	[hbm4b:s0+s2] =	stream.linear.scatter [tilespmem:s5], [sflag:$0x2], $0x8000, $0x38;
	[tilespmem:$0x8100] =	vst v63  }
0xb0: {  	_ =	swait.ge [sflag:s3], $0x8000  }
0xb1: {  	[sflag:s3] =	ssyncset.done $0x0  }
0xb2: {  	[sflag:s3] =	ssyncadd.s32 $0xFFFF8000  }
0xb3: {  	[tilespmem:s2], [sflag:$0x2] =	stream.linear.gather [hbm4b:s7+s2], $0x100, $0x38;
	[tilespmem:$0x8100] =	vst v63  }
0xb4: {  	_ =	swait.ge [sflag:s3], $0x100  }
0xb5: {  	[sflag:s3] =	ssyncset.done $0x0  }
0xb6: {  	[sflag:s3] =	ssyncadd.s32 $0xFFFFFF00  }
0xb7: {  	[tilespmem:s5], [sflag:$0x1] =	stream.indirect.gather [hbm4b:s4+s5], $0x80, s2, s5, $0xb8;
	[tilespmem:$0x8100] =	vst v63  }
0xb8: {  	_ =	swait.ge [sflag:s6], $0x8000  }
0xb9: {  	[sflag:s6] =	ssyncset.done $0x0  }
0xba: {  	[sflag:s6] =	ssyncadd.s32 $0xFFFF8000  }
0xbb: {  	[hbm4b:s8+s2] =	stream.linear.scatter [tilespmem:s5], [sflag:$0x2], $0x8000, $0x38;
	[tilespmem:$0x8100] =	vst v63  }
0xbc: {  	_ =	swait.ge [sflag:s3], $0x8000  }
0xbd: {  	[sflag:s3] =	ssyncset.done $0x0  }
0xbe: {  	[sflag:s3] =	ssyncadd.s32 $0xFFFF8000  }
0xbf: {  	[tilespmem:s2], [sflag:$0x2] =	stream.linear.gather [hbm4b:s9+s2], $0x100, $0x38;
	[tilespmem:$0x8100] =	vst v63  }
0xc0: {  	_ =	swait.ge [sflag:s3], $0x100  }
0xc1: {  	[sflag:s3] =	ssyncset.done $0x0  }
0xc2: {  	[sflag:s3] =	ssyncadd.s32 $0xFFFFFF00  }
0xc3: {  	[tilespmem:s5], [sflag:$0x1] =	stream.indirect.gather [hbm4b:s4+s5], $0x80, s2, s5, $0xb8;
	[tilespmem:$0x8100] =	vst v63  }
0xc4: {  	_ =	swait.ge [sflag:s6], $0x8000  }
0xc5: {  	[sflag:s6] =	ssyncset.done $0x0  }
0xc6: {  	[sflag:s6] =	ssyncadd.s32 $0xFFFF8000  }
0xc7: {  	[hbm4b:s10+s2] =	stream.linear.scatter [tilespmem:s5], [sflag:$0x2], $0x8000, $0x38;
	[tilespmem:$0x8100] =	vst v63  }
0xc8: {  	_ =	swait.ge [sflag:s3], $0x8000  }
0xc9: {  	[sflag:s3] =	ssyncset.done $0x0  }
0xca: {  	[sflag:s3] =	ssyncadd.s32 $0xFFFF8000  }
0xcb: {  	[tilespmem:s2], [sflag:$0x2] =	stream.linear.gather [hbm4b:s11+s2], $0x100, $0x38;
	[tilespmem:$0x8100] =	vst v63  }
0xcc: {  	_ =	swait.ge [sflag:s3], $0x100  }
0xcd: {  	[sflag:s3] =	ssyncset.done $0x0  }
0xce: {  	[sflag:s3] =	ssyncadd.s32 $0xFFFFFF00  }
0xcf: {  	[tilespmem:s5], [sflag:$0x1] =	stream.indirect.gather [hbm4b:s4+s5], $0x80, s2, s5, $0xb8;
	[tilespmem:$0x8100] =	vst v63  }
0xd0: {  	_ =	swait.ge [sflag:s6], $0x8000  }
0xd1: {  	[sflag:s6] =	ssyncset.done $0x0  }
0xd2: {  	[sflag:s6] =	ssyncadd.s32 $0xFFFF8000  }
0xd3: {  	[hbm4b:s12+s2] =	stream.linear.scatter [tilespmem:s5], [sflag:$0x2], $0x8000, $0x38;
	[tilespmem:$0x8100] =	vst v63  }
0xd4: {  	_ =	swait.ge [sflag:s3], $0x8000  }
0xd5: {  	[sflag:s3] =	ssyncset.done $0x0  }
0xd6: {  	[sflag:s3] =	ssyncadd.s32 $0xFFFF8000  }
0xd7: {  	[tilespmem:s2], [sflag:$0x2] =	stream.linear.gather [hbm4b:s13+s2], $0x100, $0x38;
	[tilespmem:$0x8100] =	vst v63  }
0xd8: {  	_ =	swait.ge [sflag:s3], $0x100  }
0xd9: {  	[sflag:s3] =	ssyncset.done $0x0  }
0xda: {  	[sflag:s3] =	ssyncadd.s32 $0xFFFFFF00  }
0xdb: {  	[tilespmem:s5], [sflag:$0x1] =	stream.indirect.gather [hbm4b:s4+s5], $0x80, s2, s5, $0xb8;
	[tilespmem:$0x8100] =	vst v63  }
0xdc: {  	_ =	swait.ge [sflag:s6], $0x8000  }
0xdd: {  	[sflag:s6] =	ssyncset.done $0x0  }
0xde: {  	[sflag:s6] =	ssyncadd.s32 $0xFFFF8000  }
0xdf: {  	[hbm4b:s14+s2] =	stream.linear.scatter [tilespmem:s5], [sflag:$0x2], $0x8000, $0x38;
	[tilespmem:$0x8100] =	vst v63  }
0xe0: {  	_ =	swait.ge [sflag:s3], $0x8000  }
0xe1: {  	[sflag:s3] =	ssyncset.done $0x0  }
0xe2: {  	[sflag:s3] =	ssyncadd.s32 $0xFFFF8000  }
0xe3: {  	[tilespmem:s2], [sflag:$0x2] =	stream.linear.gather [hbm4b:s15+s2], $0x100, $0x38;
	[tilespmem:$0x8100] =	vst v63  }
0xe4: {  	_ =	swait.ge [sflag:s3], $0x100  }
0xe5: {  	[sflag:s3] =	ssyncset.done $0x0  }
0xe6: {  	[sflag:s3] =	ssyncadd.s32 $0xFFFFFF00  }
0xe7: {  	[tilespmem:s5], [sflag:$0x1] =	stream.indirect.gather [hbm4b:s4+s5], $0x80, s2, s5, $0xb8;
	[tilespmem:$0x8100] =	vst v63  }
0xe8: {  	_ =	swait.ge [sflag:s6], $0x8000  }
0xe9: {  	[sflag:s6] =	ssyncset.done $0x0  }
0xea: {  	[sflag:s6] =	ssyncadd.s32 $0xFFFF8000  }
0xeb: {  	[hbm4b:s16+s2] =	stream.linear.scatter [tilespmem:s5], [sflag:$0x2], $0x8000, $0x38;
	[tilespmem:$0x8100] =	vst v63  }
0xec: {  	_ =	swait.ge [sflag:s3], $0x8000  }
0xed: {  	[sflag:s3] =	ssyncset.done $0x0  }
0xee: {  	[sflag:s3] =	ssyncadd.s32 $0xFFFF8000  }
0xef: {  	[tilespmem:s2], [sflag:$0x2] =	stream.linear.gather [hbm4b:s17+s2], $0x100, $0x38;
	[tilespmem:$0x8100] =	vst v63  }
0xf0: {  	_ =	swait.ge [sflag:s3], $0x100  }
0xf1: {  	[sflag:s3] =	ssyncset.done $0x0  }
0xf2: {  	[sflag:s3] =	ssyncadd.s32 $0xFFFFFF00  }
0xf3: {  	[tilespmem:s5], [sflag:$0x1] =	stream.indirect.gather [hbm4b:s4+s5], $0x80, s2, s5, $0xb8;
	[tilespmem:$0x8100] =	vst v63  }
0xf4: {  	_ =	swait.ge [sflag:s6], $0x8000  }
0xf5: {  	[sflag:s6] =	ssyncset.done $0x0  }
0xf6: {  	[sflag:s6] =	ssyncadd.s32 $0xFFFF8000  }
0xf7: {  	[hbm4b:s18+s2] =	stream.linear.scatter [tilespmem:s5], [sflag:$0x2], $0x8000, $0x38;
	[tilespmem:$0x8100] =	vst v63  }
0xf8: {  	_ =	swait.ge [sflag:s3], $0x8000  }
0xf9: {  	[sflag:s3] =	ssyncset.done $0x0  }
0xfa: {  	[sflag:s3] =	ssyncadd.s32 $0xFFFF8000  }
0xfb: {  	[tilespmem:s2], [sflag:$0x2] =	stream.linear.gather [hbm4b:s19+s2], $0x100, $0x38;
	[tilespmem:$0x8100] =	vst v63  }
0xfc: {  	_ =	swait.ge [sflag:s3], $0x100  }
0xfd: {  	[sflag:s3] =	ssyncset.done $0x0  }
0xfe: {  	[sflag:s3] =	ssyncadd.s32 $0xFFFFFF00  }
0xff: {  	[tilespmem:s5], [sflag:$0x1] =	stream.indirect.gather [hbm4b:s4+s5], $0x80, s2, s5, $0xb8;
	[tilespmem:$0x8100] =	vst v63  }
0x100: {  	_ =	swait.ge [sflag:s6], $0x8000  }
0x101: {  	[sflag:s6] =	ssyncset.done $0x0  }
0x102: {  	[sflag:s6] =	ssyncadd.s32 $0xFFFF8000  }
0x103: {  	[hbm4b:s20+s2] =	stream.linear.scatter [tilespmem:s5], [sflag:$0x2], $0x8000, $0x38;
	[tilespmem:$0x8100] =	vst v63  }
0x104: {  	_ =	swait.ge [sflag:s3], $0x8000  }
0x105: {  	[sflag:s3] =	ssyncset.done $0x0  }
0x106: {  	[sflag:s3] =	ssyncadd.s32 $0xFFFF8000  }
0x107: {  	[tilespmem:s2], [sflag:$0x2] =	stream.linear.gather [hbm4b:s21+s2], $0x100, $0x38;
	[tilespmem:$0x8100] =	vst v63  }
0x108: {  	_ =	swait.ge [sflag:s3], $0x100  }
0x109: {  	[sflag:s3] =	ssyncset.done $0x0  }
0x10a: {  	[sflag:s3] =	ssyncadd.s32 $0xFFFFFF00  }
0x10b: {  	[tilespmem:s5], [sflag:$0x1] =	stream.indirect.gather [hbm4b:s4+s5], $0x80, s2, s5, $0xb8;
	[tilespmem:$0x8100] =	vst v63  }
0x10c: {  	_ =	swait.ge [sflag:s6], $0x8000  }
0x10d: {  	[sflag:s6] =	ssyncset.done $0x0  }
0x10e: {  	[sflag:s6] =	ssyncadd.s32 $0xFFFF8000  }
0x10f: {  	[hbm4b:s22+s2] =	stream.linear.scatter [tilespmem:s5], [sflag:$0x2], $0x8000, $0x38;
	[tilespmem:$0x8100] =	vst v63  }
0x110: {  	_ =	swait.ge [sflag:s3], $0x8000  }
0x111: {  	[sflag:s3] =	ssyncset.done $0x0  }
0x112: {  	[sflag:s3] =	ssyncadd.s32 $0xFFFF8000  }
0x113: {  	[tilespmem:s2], [sflag:$0x2] =	stream.linear.gather [hbm4b:s23+s2], $0x100, $0x38;
	[tilespmem:$0x8100] =	vst v63  }
0x114: {  	_ =	swait.ge [sflag:s3], $0x100  }
0x115: {  	[sflag:s3] =	ssyncset.done $0x0  }
0x116: {  	[sflag:s3] =	ssyncadd.s32 $0xFFFFFF00  }
0x117: {  	[tilespmem:s5], [sflag:$0x1] =	stream.indirect.gather [hbm4b:s4+s5], $0x80, s2, s5, $0xb8;
	[tilespmem:$0x8100] =	vst v63  }
0x118: {  	_ =	swait.ge [sflag:s6], $0x8000  }
0x119: {  	[sflag:s6] =	ssyncset.done $0x0  }
0x11a: {  	[sflag:s6] =	ssyncadd.s32 $0xFFFF8000  }
0x11b: {  	[hbm4b:s24+s2] =	stream.linear.scatter [tilespmem:s5], [sflag:$0x2], $0x8000, $0x38;
	[tilespmem:$0x8100] =	vst v63  }
0x11c: {  	_ =	swait.ge [sflag:s3], $0x8000  }
0x11d: {  	[sflag:s3] =	ssyncset.done $0x0  }
0x11e: {  	[sflag:s3] =	ssyncadd.s32 $0xFFFF8000  }
0x11f: {  	[tilespmem:s2], [sflag:$0x2] =	stream.linear.gather [hbm4b:s25+s2], $0x100, $0x38;
	[tilespmem:$0x8100] =	vst v63  }
0x120: {  	_ =	swait.ge [sflag:s3], $0x100  }
0x121: {  	[sflag:s3] =	ssyncset.done $0x0  }
0x122: {  	[sflag:s3] =	ssyncadd.s32 $0xFFFFFF00  }
0x123: {  	[tilespmem:s5], [sflag:$0x1] =	stream.indirect.gather [hbm4b:s4+s5], $0x80, s2, s5, $0xb8;
	[tilespmem:$0x8100] =	vst v63  }
0x124: {  	_ =	swait.ge [sflag:s6], $0x8000  }
0x125: {  	[sflag:s6] =	ssyncset.done $0x0  }
0x126: {  	[sflag:s6] =	ssyncadd.s32 $0xFFFF8000  }
0x127: {  	[hbm4b:s26+s2] =	stream.linear.scatter [tilespmem:s5], [sflag:$0x2], $0x8000, $0x38;
	[tilespmem:$0x8100] =	vst v63  }
0x128: {  	_ =	swait.ge [sflag:s3], $0x8000  }
0x129: {  	[sflag:s3] =	ssyncset.done $0x0  }
0x12a: {  	[sflag:s3] =	ssyncadd.s32 $0xFFFF8000  }
0x12b: {  	[tilespmem:s2], [sflag:$0x2] =	stream.linear.gather [hbm4b:s28+s2], $0x100, $0x38;
	[tilespmem:$0x8100] =	vst v63  }
0x12c: {  	_ =	swait.ge [sflag:s3], $0x100  }
0x12d: {  	[sflag:s3] =	ssyncset.done $0x0  }
0x12e: {  	[sflag:s3] =	ssyncadd.s32 $0xFFFFFF00  }
0x12f: {  	[tilespmem:s5], [sflag:$0x1] =	stream.indirect.gather [hbm4b:s4+s5], $0x80, s2, s5, $0xb8;
	[tilespmem:$0x8100] =	vst v63  }
0x130: {  	_ =	swait.ge [sflag:s6], $0x8000  }
0x131: {  	[sflag:s6] =	ssyncset.done $0x0  }
0x132: {  	[sflag:s6] =	ssyncadd.s32 $0xFFFF8000  }
0x133: {  	[hbm4b:s29+s2] =	stream.linear.scatter [tilespmem:s5], [sflag:$0x2], $0x8000, $0x38;
	[tilespmem:$0x8100] =	vst v63  }
0x134: {  	_ =	swait.ge [sflag:s3], $0x8000  }
0x135: {  	[sflag:s3] =	ssyncset.done $0x0  }
0x136: {  	[sflag:s3] =	ssyncadd.s32 $0xFFFF8000  }
0x137: {  	[tilespmem:s2], [sflag:$0x2] =	stream.linear.gather [hbm4b:s30+s2], $0x100, $0x38;
	[tilespmem:$0x8100] =	vst v63  }
0x138: {  	_ =	swait.ge [sflag:s3], $0x100  }
0x139: {  	[sflag:s3] =	ssyncset.done $0x0  }
0x13a: {  	p0 =	sne.s32 s1, $0x1;
	[sflag:s3] =	ssyncadd.s32 $0xFFFFFF00  }
0x13b: {  	[tilespmem:s5], [sflag:$0x1] =	stream.indirect.gather [hbm4b:s4+s5], $0x80, s2, s5, $0xb8;
	[tilespmem:$0x8100] =	vst v63  }
.Ltmp1:
0x13c: {  	_ =	swait.ge [sflag:s6], $0x8000;
	(pc) =	sbr.rel @p0 .LBB2_1-.Ltmp1, $4  }
0x13d: {  	[sflag:s6] =	ssyncset.done $0x0  }
0x13e: {  	[sflag:s6] =	ssyncadd.s32 $0xFFFF8000  }
0x13f: {  	[hbm4b:s31+s2] =	stream.linear.scatter [tilespmem:s5], [sflag:$0x2], $0x8000, $0x38;
	[tilespmem:$0x8100] =	vst v63  }
0x140: {  	s1 =	sadd.s32 $0xFFFFFFFF, s1;
	_ =	swait.ge [sflag:s3], $0x8000  }
.LBB2_2:
0x141: {  	[sflag:s3] =	ssyncset.done $0x0  }
0x142: {  	[sflag:s3] =	ssyncadd.s32 $0xFFFF8000  }
0x143: {  	_ =	sfence.sel $0x180000  }
0x144: {  	[bflag:$0x0] =	sbarrier.arrive $0xFFFF  }
0x145: {  	_ =	strace $0x90000047  }
0x146: {  	s0 =	stileid.u32;
	[bflag:$0x2] =	sbarrier.arrive $0xFFFF  }
0x147: {  	p0 =	sne.s32 s0, $0x0;
	s0 =	rddreg [dreg:$0x2]  }
0x148: {  	s0 =	sadd.s32 @!p0 $0x100000, s0  }
0x149: {  	[sflag:s0] =	ssyncadd.tile.s32 @!p0 $0x1;
	_ =	shalt  }
.Lfunc_end2:
_tile_overlayer_lowered:
.L_overlay_start_2:
0x14a: {  	(tag) =	ssettag $0x2  }
0x14b: {  	s0 =	rddreg [dreg:$0x0];
	s2 =	stileid.u32  }
0x14c: {  	s1 =	rddreg [dreg:$0x1];
	p0 =	sne.s32 s2, $0x0  }
0x14d: {  	s3 =	rddreg [dreg:$0x2];
	[bflag:$0x3] =	sbarrier.arrive $0xFFFF;
	s2 =	simm.s32 @!p0 $0x1C02  }
0x14e: {  	[timem:s3], [sflag:s2] =	dma.local @!p0 [hbm:s0], s1  }
0x14f: {  	s0 =	simm.s32 @!p0 $0x2  }
0x150: {  	_ =	swait.ge @!p0 [sflag:s0], s1  }
0x151: {  	s1 =	ssub.s32 @!p0 $0x0, s1;
	[sflag:s0] =	ssyncset.done @!p0 $0x0  }
0x152: {  	[sflag:s0] =	ssyncadd.s32 @!p0 s1  }
0x153: {  	[bflag:$0x3] =	sbarrier.arrive $0xFFFF  }
0x154: {  	_ =	shalt  }

</sc_bundles>
